<compile_context>
chip_gen: v7x
topology: tpu7x:2x2x1
jax: 0.10.2.dev20260603
libtpu: 0.0.44.dev20260713+nightly
codegen_flags: <defaults>
</compile_context>

<pallas_src>
import jax
import jax.numpy as jnp
from jax import lax
from jax.experimental import pallas as pl
from jax.experimental.pallas import tpu as pltpu
from jax.experimental.pallas import tpu_sc as plsc

_B, _N, _K = 8, 2048, 4
_EPS = 1e-5
_TQ = 2048
_NKW = 4
_CHUNK = _N // _NKW
_NK = _N * _K


def _bf16r(x):
    return x.astype(jnp.bfloat16).astype(jnp.float32)


def _knn_body(keys_ref, idx_ref):
    keys16 = keys_ref[0, :, 0:2].astype(jnp.bfloat16)
    p = lax.dot_general(keys16, keys16, (((1,), (1,)), ((), ())),
                        preferred_element_type=jnp.float32)
    xm = keys_ref[0, :, 0:1]
    ym = keys_ref[0, :, 1:2]
    xxm = xm * xm + ym * ym
    xxq = jnp.transpose(xxm, (1, 0))
    dist = (xxm - 2.0 * p) + xxq
    iota = lax.broadcasted_iota(jnp.int32, (_N, _TQ), 0).astype(jnp.float32)
    for k in range(_K):
        mn = jnp.min(dist, axis=0, keepdims=True)
        cand = jnp.where(dist == mn, iota, jnp.float32(_N))
        sel = jnp.min(cand, axis=0, keepdims=True)
        idx_ref[0, k:k + 1, :] = sel.astype(jnp.int32)
        if k + 1 < _K:
            dist = jnp.where(iota == sel, jnp.float32(jnp.inf), dist)


def _knn_topk(xyz):
    return pl.pallas_call(
        _knn_body,
        grid=(_B,),
        in_specs=[pl.BlockSpec((1, _N, 3), lambda b: (b, 0, 0))],
        out_specs=pl.BlockSpec((1, _K, _TQ), lambda b: (b, 0, 0)),
        out_shape=jax.ShapeDtypeStruct((_B, _K, _N), jnp.int32),
    )(xyz)


def _sc_gather_body(xyzf_hbm, idxf_hbm, out_hbm, xyz_v, idx_v, out_v):
    wid = lax.axis_index("s") * 2 + lax.axis_index("c")
    b = wid // _NKW
    n0 = (wid % _NKW) * _CHUNK
    pltpu.sync_copy(xyzf_hbm.at[pl.ds(b * (3 * _N), 3 * _N)], xyz_v)
    pltpu.sync_copy(idxf_hbm.at[pl.ds(b * _NK, _NK)], idx_v)
    lanes = lax.iota(jnp.int32, 16)

    def body(i, carry):
        n_lane = n0 + i * 16 + lanes
        f0 = n_lane * 12
        for c in range(3):
            acc = jnp.zeros((16,), jnp.float32)
            for k in range(_K):
                f = f0 + (3 * k + c)
                r = jnp.where(f >= 2 * _NK, jnp.int32(2),
                              jnp.where(f >= _NK, jnp.int32(1), jnp.int32(0)))
                s = f - r * _NK
                sp = jnp.bitwise_and(s, 3) * _N + lax.shift_right_logical(s, 2)
                j = plsc.load_gather(idx_v, [sp])
                val = plsc.load_gather(xyz_v, [j * 3 + r])
                acc = acc + val
            xv = plsc.load_gather(xyz_v, [n_lane * 3 + c])
            feat = xv - acc * 0.25
            pos = (c * _CHUNK + i * 16) + lanes
            plsc.store_scatter(out_v, [pos], feat)
        return carry

    lax.fori_loop(0, _CHUNK // 16, body, 0)
    for c in range(3):
        pltpu.sync_copy(out_v.at[pl.ds(c * _CHUNK, _CHUNK)],
                        out_hbm.at[pl.ds(b * (3 * _N) + c * _N + n0, _CHUNK)])


def _sc_gather(xyzf, idxf):
    mesh = plsc.VectorSubcoreMesh(core_axis_name="c", subcore_axis_name="s",
                                  num_cores=2, num_subcores=16)
    out = pl.kernel(
        _sc_gather_body,
        out_type=jax.ShapeDtypeStruct((_B * 3 * _N,), jnp.float32),
        mesh=mesh,
        compiler_params=pltpu.CompilerParams(use_tc_tiling_on_sc=False,
                                             needs_layout_passes=False),
        scratch_types=[
            pltpu.VMEM((3 * _N,), jnp.float32),
            pltpu.VMEM((_NK,), jnp.int32),
            pltpu.VMEM((3 * _CHUNK,), jnp.float32),
        ],
    )(xyzf, idxf)
    return out.reshape(_B, 3, _N)


def _tail_body(featT_ref, xyz_ref, W_ref, bvec_ref, bnw_ref, bnb_ref, out_ref):
    f = [_bf16r(featT_ref[:, c, :]) for c in range(3)]
    trans = []
    ssum = None
    for cp in range(3):
        t = (f[0] * _bf16r(W_ref[cp, 0]) + f[1] * _bf16r(W_ref[cp, 1])
             + f[2] * _bf16r(W_ref[cp, 2])) + bvec_ref[cp]
        trans.append(t)
        s = jnp.sum(t, axis=0, keepdims=True)
        ssum = s if ssum is None else ssum + s
    mean = ssum / 24.0
    vsum = None
    for cp in range(3):
        d = trans[cp] - mean
        v = jnp.sum(d * d, axis=0, keepdims=True)
        vsum = v if vsum is None else vsum + v
    var = vsum / 24.0
    denom = jnp.sqrt(var + _EPS)
    rows = []
    for cp in range(3):
        t = (trans[cp] - mean) / denom
        t = t * bnw_ref[0:1, :] + bnb_ref[0:1, :]
        t = jnp.where(t >= 0, t, 0.1 * t)
        rows.append(t)
    for b in range(_B):
        tb = jnp.concatenate([rows[cp][b:b + 1, :] for cp in range(3)], axis=0)
        out_ref[b, :, :] = xyz_ref[b, :, :] + jnp.transpose(tb, (1, 0))


def _tail(featT, xyz, W, bvec, bn_w, bn_b):
    TN = 512
    return pl.pallas_call(
        _tail_body,
        grid=(_N // TN,),
        in_specs=[
            pl.BlockSpec((_B, 3, TN), lambda t: (0, 0, t)),
            pl.BlockSpec((_B, TN, 3), lambda t: (0, t, 0)),
            pl.BlockSpec(memory_space=pltpu.SMEM),
            pl.BlockSpec(memory_space=pltpu.SMEM),
            pl.BlockSpec((1, TN), lambda t: (0, t)),
            pl.BlockSpec((1, TN), lambda t: (0, t)),
        ],
        out_specs=pl.BlockSpec((_B, TN, 3), lambda t: (0, t, 0)),
        out_shape=jax.ShapeDtypeStruct((_B, _N, 3), jnp.float32),
    )(featT, xyz, W, bvec, bn_w.reshape(1, _N), bn_b.reshape(1, _N))


def kernel(xyz, W, b, bn_w, bn_b):
    idxKN = _knn_topk(xyz)
    featT = _sc_gather(xyz.reshape(_B * 3 * _N), idxKN.reshape(_B * _NK))
    return _tail(featT, xyz, W, b, bn_w, bn_b)

# --- scband reference (transcript-rebuilt; emitter-appended) ---
"""Pipeline reference for scband-geometric-unit-12206297055627 (READ-ONLY COPY).

The authoritative reference and input builder live on the scoring server;
editing this copy changes nothing except your own understanding.
"""

import jax, jax.numpy as jnp
import numpy as np

B, N, K = 8, 2048, 4
EPS = 1e-5

def setup_inputs(seed: int = 0):
    key = jax.random.key(seed)
    k1, k2, k3 = jax.random.split(key, 3)
    xyz = jax.random.normal(k1, (B, N, 3), dtype=jnp.float32)
    W = jax.random.normal(k2, (3, 3), dtype=jnp.float32) * 0.5
    b = jax.random.normal(k3, (3,), dtype=jnp.float32) * 0.1
    bn_w = jnp.ones((N,), dtype=jnp.float32)
    bn_b = jnp.zeros((N,), dtype=jnp.float32)
    return {"xyz": xyz, "W": W, "b": b, "bn_w": bn_w, "bn_b": bn_b}

def _get_laplacian(xyz, k):
    # xyz: [B, N, 3] -> transpose to [B, 3, N] as in torch code
    x = jnp.transpose(xyz, (0, 2, 1))
    xy = x[:, 0:2, :]  # kNN computed only on first 2 coords, as in original
    inner = 2.0 * jnp.einsum('bdn,bdm->bnm', xy, xy)
    xx = jnp.sum(jnp.square(xy), axis=1, keepdims=True)  # [B,1,N]
    pairwise = xx - inner + jnp.transpose(xx, (0, 2, 1))  # [B,N,N]
    _, idx = jax.lax.top_k(-pairwise, k)  # [B,N,k] indices of k nearest (by -dist)
    n = x.shape[2]
    def per_batch(xb, idxb):
        # xb: [3, N]; idxb: [N, k]
        local = xb[:, idxb.reshape(-1)]  # [3, N*k]
        local = local.reshape(n, k, 3)   # faithful to torch .view on contiguous [3, N*k]
        return jnp.transpose(xb, (1, 0)) - jnp.mean(local, axis=1)  # [N, 3]
    return jax.vmap(per_batch)(x, idx)  # [B, N, 3]

def reference(xyz, W, b, bn_w, bn_b):
    feat = _get_laplacian(xyz, K)  # [B, N, 3]
    trans = feat @ W.T + b  # Linear(3, 3)
    # BatchNorm1d(n_points) in training mode: channel dim = N (dim 1), stats over (B, 3)
    mean = jnp.mean(trans, axis=(0, 2), keepdims=True)
    var = jnp.var(trans, axis=(0, 2), keepdims=True)  # biased variance, as torch uses for normalization
    trans = (trans - mean) / jnp.sqrt(var + EPS)
    trans = trans * bn_w[None, :, None] + bn_b[None, :, None]
    # LeakyReLU(0.1)
    trans = jnp.where(trans >= 0, trans, 0.1 * trans)
    return xyz + trans

if __name__ == "__main__":
    import jax
    _d = setup_inputs()
    print(jax.jit(kernel)(*tuple(_d.values())))

</pallas_src>

<mosaic_0001>
#map = affine_map<(d0, d1) -> (0)>
module attributes {stable_mosaic.version = 14 : i64} {
  func.func @_sc_gather_body(%arg0: i32, %arg1: i32, %arg2: memref<49152xf32, #tpu.memory_space<hbm>>, %arg3: memref<65536xi32, #tpu.memory_space<hbm>>, %arg4: memref<49152xf32, #tpu.memory_space<hbm>>, %arg5: memref<6144xf32, #tpu.memory_space<vmem>>, %arg6: memref<8192xi32, #tpu.memory_space<vmem>>, %arg7: memref<1536xf32, #tpu.memory_space<vmem>>) attributes {dimension_semantics = [#tpu.dimension_semantics<core_parallel>, #tpu.dimension_semantics<subcore_parallel>], iteration_bounds = array<i64: 2, 16>, scalar_prefetch = 0 : i64, scratch_operands = 3 : i64, tpu.core_type = #tpu.core_type<sc_vector_subcore>, window_params = [{transform_indices = #map}, {transform_indices = #map}, {transform_indices = #map}]} {
    %mul3A = arith.constant 2 : i32
    %mul3A_0 = arith.muli %arg1, %mul3A : i32
    %add3A = arith.addi %mul3A_0, %arg0 : i32
    %jit3A = arith.constant 4 : i32
    %div3A = arith.divsi %add3A, %jit3A : i32
    %sign3A = arith.constant 0 : i32
    %sign3A_1 = arith.cmpi sgt, %add3A, %sign3A : i32
    %sign3A_2 = arith.extui %sign3A_1 : i1 to i32
    %sign3A_3 = arith.constant 0 : i32
    %sign3A_4 = arith.cmpi slt, %add3A, %sign3A_3 : i32
    %sign3A_5 = arith.extui %sign3A_4 : i1 to i32
    %sign3A_6 = arith.subi %sign3A_2, %sign3A_5 : i32
    %sign3A_7 = arith.constant 0 : i32
    %sign3A_8 = arith.cmpi sgt, %jit3A, %sign3A_7 : i32
    %sign3A_9 = arith.extui %sign3A_8 : i1 to i32
    %sign3A_10 = arith.constant 0 : i32
    %sign3A_11 = arith.cmpi slt, %jit3A, %sign3A_10 : i32
    %sign3A_12 = arith.extui %sign3A_11 : i1 to i32
    %sign3A_13 = arith.subi %sign3A_9, %sign3A_12 : i32
    %ne3A = arith.cmpi ne, %sign3A_6, %sign3A_13 : i32
    %rem3A = arith.remsi %add3A, %jit3A : i32
    %ne3A_14 = arith.constant 0 : i32
    %ne3A_15 = arith.cmpi ne, %rem3A, %ne3A_14 : i32
    %and3A = arith.andi %ne3A, %ne3A_15 : i1
    %sub3A = arith.constant 1 : i32
    %sub3A_16 = arith.subi %div3A, %sub3A : i32
    %select_n3A = arith.select %and3A, %sub3A_16, %div3A : i32
    %jit3A_17 = arith.constant 4 : i32
    %eq3A = arith.constant 0 : i32
    %eq3A_18 = arith.cmpi eq, %jit3A_17, %eq3A : i32
    %jit3A_19 = arith.constant 1 : i32
    %select_n3A_20 = arith.select %eq3A_18, %jit3A_19, %jit3A_17 : i32
    %rem3A_21 = arith.remsi %add3A, %select_n3A_20 : i32
    %ne3A_22 = arith.constant 0 : i32
    %ne3A_23 = arith.cmpi ne, %rem3A_21, %ne3A_22 : i32
    %lt3A = arith.constant 0 : i32
    %lt3A_24 = arith.cmpi slt, %rem3A_21, %lt3A : i32
    %lt3A_25 = arith.constant 0 : i32
    %lt3A_26 = arith.cmpi slt, %select_n3A_20, %lt3A_25 : i32
    %ne3A_27 = arith.xori %lt3A_24, %lt3A_26 : i1
    %and3A_28 = arith.andi %ne3A_27, %ne3A_23 : i1
    %add3A_29 = arith.addi %rem3A_21, %select_n3A_20 : i32
    %select_n3A_30 = arith.select %and3A_28, %add3A_29, %rem3A_21 : i32
    %mul3A_31 = arith.constant 512 : i32
    %mul3A_32 = arith.muli %select_n3A_30, %mul3A_31 : i32
    %mul3A_33 = arith.constant 6144 : i32
    %mul3A_34 = arith.muli %select_n3A, %mul3A_33 : i32
    "tpu.region"() ({
      %run_scoped3A = tpu.sem_alloc : memref<!tpu.dma_semaphore, #tpu.memory_space<semaphore_mem>>
      %dma_start3A = tpu.memref_slice %arg2[%mul3A_34] : memref<49152xf32, #tpu.memory_space<hbm>> -> memref<6144xf32, #tpu.memory_space<hbm>>
      %dma_start3A_57 = tpu.memref_slice %arg2[%mul3A_34] : memref<49152xf32, #tpu.memory_space<hbm>> -> memref<6144xf32, #tpu.memory_space<hbm>>
      tpu.enqueue_dma source(%dma_start3A_57 : memref<6144xf32, #tpu.memory_space<hbm>>) target(%arg5 : memref<6144xf32, #tpu.memory_space<vmem>>) target_semaphore(%run_scoped3A : memref<!tpu.dma_semaphore, #tpu.memory_space<semaphore_mem>>)
      %dma_wait3A = tpu.memref_slice %arg2[%mul3A_34] : memref<49152xf32, #tpu.memory_space<hbm>> -> memref<6144xf32, #tpu.memory_space<hbm>>
      %dma_wait3A_58 = tpu.memref_slice %arg2[%mul3A_34] : memref<49152xf32, #tpu.memory_space<hbm>> -> memref<6144xf32, #tpu.memory_space<hbm>>
      tpu.wait_dma2 semaphore(%run_scoped3A : memref<!tpu.dma_semaphore, #tpu.memory_space<semaphore_mem>>) src(%dma_wait3A_58 : memref<6144xf32, #tpu.memory_space<hbm>>) dst(%arg5 : memref<6144xf32, #tpu.memory_space<vmem>>)
      tpu.yield
    }) : () -> ()
    %mul3A_35 = arith.constant 8192 : i32
    %mul3A_36 = arith.muli %select_n3A, %mul3A_35 : i32
    "tpu.region"() ({
      %run_scoped3A = tpu.sem_alloc : memref<!tpu.dma_semaphore, #tpu.memory_space<semaphore_mem>>
      %dma_start3A = tpu.memref_slice %arg3[%mul3A_36] : memref<65536xi32, #tpu.memory_space<hbm>> -> memref<8192xi32, #tpu.memory_space<hbm>>
      %dma_start3A_57 = tpu.memref_slice %arg3[%mul3A_36] : memref<65536xi32, #tpu.memory_space<hbm>> -> memref<8192xi32, #tpu.memory_space<hbm>>
      tpu.enqueue_dma source(%dma_start3A_57 : memref<8192xi32, #tpu.memory_space<hbm>>) target(%arg6 : memref<8192xi32, #tpu.memory_space<vmem>>) target_semaphore(%run_scoped3A : memref<!tpu.dma_semaphore, #tpu.memory_space<semaphore_mem>>)
      %dma_wait3A = tpu.memref_slice %arg3[%mul3A_36] : memref<65536xi32, #tpu.memory_space<hbm>> -> memref<8192xi32, #tpu.memory_space<hbm>>
      %dma_wait3A_58 = tpu.memref_slice %arg3[%mul3A_36] : memref<65536xi32, #tpu.memory_space<hbm>> -> memref<8192xi32, #tpu.memory_space<hbm>>
      tpu.wait_dma2 semaphore(%run_scoped3A : memref<!tpu.dma_semaphore, #tpu.memory_space<semaphore_mem>>) src(%dma_wait3A_58 : memref<8192xi32, #tpu.memory_space<hbm>>) dst(%arg6 : memref<8192xi32, #tpu.memory_space<vmem>>)
      tpu.yield
    }) : () -> ()
    %iota3A = tpu.iota {dimensions = array<i32: 0>} : vector<16xi32>
    %scan3A = arith.constant 0 : i32
    %scan3A_37 = arith.constant 0 : i32
    %scan3A_38 = arith.constant 32 : i32
    %scan3A_39 = arith.addi %scan3A_37, %scan3A_38 : i32
    %scan3A_40 = arith.constant 1 : i32
    scf.for %scan3A_57 = %scan3A_37 to %scan3A_39 step %scan3A_40  : i32 {
      %mul3A_58 = arith.constant 16 : i32
      %mul3A_59 = arith.muli %scan3A_57, %mul3A_58 : i32
      %add3A_60 = arith.addi %mul3A_32, %mul3A_59 : i32
      %add3A_61 = vector.broadcast %add3A_60 : i32 to vector<16xi32>
      %add3A_62 = arith.addi %add3A_61, %iota3A : vector<16xi32>
      %mul3A_63 = arith.constant 12 : i32
      %mul3A_64 = vector.broadcast %mul3A_63 : i32 to vector<16xi32>
      %mul3A_65 = arith.muli %add3A_62, %mul3A_64 : vector<16xi32>
      %broadcast_in_dim3A = arith.constant 0.000000e+00 : f32
      %broadcast_in_dim3A_66 = vector.broadcast %broadcast_in_dim3A : f32 to vector<16xf32>
      %add3A_67 = arith.constant 0 : i32
      %add3A_68 = vector.broadcast %add3A_67 : i32 to vector<16xi32>
      %add3A_69 = arith.addi %mul3A_65, %add3A_68 : vector<16xi32>
      %ge3A = arith.constant 16384 : i32
      %ge3A_70 = vector.broadcast %ge3A : i32 to vector<16xi32>
      %ge3A_71 = arith.cmpi sge, %add3A_69, %ge3A_70 : vector<16xi32>
      %ge3A_72 = arith.constant 8192 : i32
      %ge3A_73 = vector.broadcast %ge3A_72 : i32 to vector<16xi32>
      %ge3A_74 = arith.cmpi sge, %add3A_69, %ge3A_73 : vector<16xi32>
      %jit3A_75 = arith.constant 1 : i32
      %jit3A_76 = arith.constant 0 : i32
      %broadcast_in_dim3A_77 = vector.broadcast %jit3A_75 : i32 to vector<16xi32>
      %broadcast_in_dim3A_78 = vector.broadcast %jit3A_76 : i32 to vector<16xi32>
      %select_n3A_79 = arith.select %ge3A_74, %broadcast_in_dim3A_77, %broadcast_in_dim3A_78 : vector<16xi1>, vector<16xi32>
      %jit3A_80 = arith.constant 2 : i32
      %broadcast_in_dim3A_81 = vector.broadcast %jit3A_80 : i32 to vector<16xi32>
      %select_n3A_82 = arith.select %ge3A_71, %broadcast_in_dim3A_81, %select_n3A_79 : vector<16xi1>, vector<16xi32>
      %mul3A_83 = arith.constant 8192 : i32
      %mul3A_84 = vector.broadcast %mul3A_83 : i32 to vector<16xi32>
      %mul3A_85 = arith.muli %select_n3A_82, %mul3A_84 : vector<16xi32>
      %sub3A_86 = arith.subi %add3A_69, %mul3A_85 : vector<16xi32>
      %and3A_87 = arith.constant 3 : i32
      %and3A_88 = vector.broadcast %and3A_87 : i32 to vector<16xi32>
      %and3A_89 = arith.andi %sub3A_86, %and3A_88 : vector<16xi32>
      %mul3A_90 = arith.constant 2048 : i32
      %mul3A_91 = vector.broadcast %mul3A_90 : i32 to vector<16xi32>
      %mul3A_92 = arith.muli %and3A_89, %mul3A_91 : vector<16xi32>
      %shift_right_logical3A = arith.constant 2 : i32
      %shift_right_logical3A_93 = vector.broadcast %shift_right_logical3A : i32 to vector<16xi32>
      %shift_right_logical3A_94 = arith.shrui %sub3A_86, %shift_right_logical3A_93 : vector<16xi32>
      %add3A_95 = arith.addi %mul3A_92, %shift_right_logical3A_94 : vector<16xi32>
      %gather3A = tpu.vector_load_idx %arg6[%add3A_95] : memref<8192xi32, #tpu.memory_space<vmem>>[vector<16xi32>], vector<16xi32>,
      %mul3A_96 = arith.constant 3 : i32
      %mul3A_97 = vector.broadcast %mul3A_96 : i32 to vector<16xi32>
      %mul3A_98 = arith.muli %gather3A, %mul3A_97 : vector<16xi32>
      %add3A_99 = arith.addi %mul3A_98, %select_n3A_82 : vector<16xi32>
      %gather3A_100 = tpu.vector_load_idx %arg5[%add3A_99] : memref<6144xf32, #tpu.memory_space<vmem>>[vector<16xi32>], vector<16xf32>,
      %add3A_101 = arith.addf %broadcast_in_dim3A_66, %gather3A_100 : vector<16xf32>
      %add3A_102 = arith.constant 3 : i32
      %add3A_103 = vector.broadcast %add3A_102 : i32 to vector<16xi32>
      %add3A_104 = arith.addi %mul3A_65, %add3A_103 : vector<16xi32>
      %ge3A_105 = arith.constant 16384 : i32
      %ge3A_106 = vector.broadcast %ge3A_105 : i32 to vector<16xi32>
      %ge3A_107 = arith.cmpi sge, %add3A_104, %ge3A_106 : vector<16xi32>
      %ge3A_108 = arith.constant 8192 : i32
      %ge3A_109 = vector.broadcast %ge3A_108 : i32 to vector<16xi32>
      %ge3A_110 = arith.cmpi sge, %add3A_104, %ge3A_109 : vector<16xi32>
      %jit3A_111 = arith.constant 1 : i32
      %jit3A_112 = arith.constant 0 : i32
      %broadcast_in_dim3A_113 = vector.broadcast %jit3A_111 : i32 to vector<16xi32>
      %broadcast_in_dim3A_114 = vector.broadcast %jit3A_112 : i32 to vector<16xi32>
      %select_n3A_115 = arith.select %ge3A_110, %broadcast_in_dim3A_113, %broadcast_in_dim3A_114 : vector<16xi1>, vector<16xi32>
      %jit3A_116 = arith.constant 2 : i32
      %broadcast_in_dim3A_117 = vector.broadcast %jit3A_116 : i32 to vector<16xi32>
      %select_n3A_118 = arith.select %ge3A_107, %broadcast_in_dim3A_117, %select_n3A_115 : vector<16xi1>, vector<16xi32>
      %mul3A_119 = arith.constant 8192 : i32
      %mul3A_120 = vector.broadcast %mul3A_119 : i32 to vector<16xi32>
      %mul3A_121 = arith.muli %select_n3A_118, %mul3A_120 : vector<16xi32>
      %sub3A_122 = arith.subi %add3A_104, %mul3A_121 : vector<16xi32>
      %and3A_123 = arith.constant 3 : i32
      %and3A_124 = vector.broadcast %and3A_123 : i32 to vector<16xi32>
      %and3A_125 = arith.andi %sub3A_122, %and3A_124 : vector<16xi32>
      %mul3A_126 = arith.constant 2048 : i32
      %mul3A_127 = vector.broadcast %mul3A_126 : i32 to vector<16xi32>
      %mul3A_128 = arith.muli %and3A_125, %mul3A_127 : vector<16xi32>
      %shift_right_logical3A_129 = arith.constant 2 : i32
      %shift_right_logical3A_130 = vector.broadcast %shift_right_logical3A_129 : i32 to vector<16xi32>
      %shift_right_logical3A_131 = arith.shrui %sub3A_122, %shift_right_logical3A_130 : vector<16xi32>
      %add3A_132 = arith.addi %mul3A_128, %shift_right_logical3A_131 : vector<16xi32>
      %gather3A_133 = tpu.vector_load_idx %arg6[%add3A_132] : memref<8192xi32, #tpu.memory_space<vmem>>[vector<16xi32>], vector<16xi32>,
      %mul3A_134 = arith.constant 3 : i32
      %mul3A_135 = vector.broadcast %mul3A_134 : i32 to vector<16xi32>
      %mul3A_136 = arith.muli %gather3A_133, %mul3A_135 : vector<16xi32>
      %add3A_137 = arith.addi %mul3A_136, %select_n3A_118 : vector<16xi32>
      %gather3A_138 = tpu.vector_load_idx %arg5[%add3A_137] : memref<6144xf32, #tpu.memory_space<vmem>>[vector<16xi32>], vector<16xf32>,
      %add3A_139 = arith.addf %add3A_101, %gather3A_138 : vector<16xf32>
      %add3A_140 = arith.constant 6 : i32
      %add3A_141 = vector.broadcast %add3A_140 : i32 to vector<16xi32>
      %add3A_142 = arith.addi %mul3A_65, %add3A_141 : vector<16xi32>
      %ge3A_143 = arith.constant 16384 : i32
      %ge3A_144 = vector.broadcast %ge3A_143 : i32 to vector<16xi32>
      %ge3A_145 = arith.cmpi sge, %add3A_142, %ge3A_144 : vector<16xi32>
      %ge3A_146 = arith.constant 8192 : i32
      %ge3A_147 = vector.broadcast %ge3A_146 : i32 to vector<16xi32>
      %ge3A_148 = arith.cmpi sge, %add3A_142, %ge3A_147 : vector<16xi32>
      %jit3A_149 = arith.constant 1 : i32
      %jit3A_150 = arith.constant 0 : i32
      %broadcast_in_dim3A_151 = vector.broadcast %jit3A_149 : i32 to vector<16xi32>
      %broadcast_in_dim3A_152 = vector.broadcast %jit3A_150 : i32 to vector<16xi32>
      %select_n3A_153 = arith.select %ge3A_148, %broadcast_in_dim3A_151, %broadcast_in_dim3A_152 : vector<16xi1>, vector<16xi32>
      %jit3A_154 = arith.constant 2 : i32
      %broadcast_in_dim3A_155 = vector.broadcast %jit3A_154 : i32 to vector<16xi32>
      %select_n3A_156 = arith.select %ge3A_145, %broadcast_in_dim3A_155, %select_n3A_153 : vector<16xi1>, vector<16xi32>
      %mul3A_157 = arith.constant 8192 : i32
      %mul3A_158 = vector.broadcast %mul3A_157 : i32 to vector<16xi32>
      %mul3A_159 = arith.muli %select_n3A_156, %mul3A_158 : vector<16xi32>
      %sub3A_160 = arith.subi %add3A_142, %mul3A_159 : vector<16xi32>
      %and3A_161 = arith.constant 3 : i32
      %and3A_162 = vector.broadcast %and3A_161 : i32 to vector<16xi32>
      %and3A_163 = arith.andi %sub3A_160, %and3A_162 : vector<16xi32>
      %mul3A_164 = arith.constant 2048 : i32
      %mul3A_165 = vector.broadcast %mul3A_164 : i32 to vector<16xi32>
      %mul3A_166 = arith.muli %and3A_163, %mul3A_165 : vector<16xi32>
      %shift_right_logical3A_167 = arith.constant 2 : i32
      %shift_right_logical3A_168 = vector.broadcast %shift_right_logical3A_167 : i32 to vector<16xi32>
      %shift_right_logical3A_169 = arith.shrui %sub3A_160, %shift_right_logical3A_168 : vector<16xi32>
      %add3A_170 = arith.addi %mul3A_166, %shift_right_logical3A_169 : vector<16xi32>
      %gather3A_171 = tpu.vector_load_idx %arg6[%add3A_170] : memref<8192xi32, #tpu.memory_space<vmem>>[vector<16xi32>], vector<16xi32>,
      %mul3A_172 = arith.constant 3 : i32
      %mul3A_173 = vector.broadcast %mul3A_172 : i32 to vector<16xi32>
      %mul3A_174 = arith.muli %gather3A_171, %mul3A_173 : vector<16xi32>
      %add3A_175 = arith.addi %mul3A_174, %select_n3A_156 : vector<16xi32>
      %gather3A_176 = tpu.vector_load_idx %arg5[%add3A_175] : memref<6144xf32, #tpu.memory_space<vmem>>[vector<16xi32>], vector<16xf32>,
      %add3A_177 = arith.addf %add3A_139, %gather3A_176 : vector<16xf32>
      %add3A_178 = arith.constant 9 : i32
      %add3A_179 = vector.broadcast %add3A_178 : i32 to vector<16xi32>
      %add3A_180 = arith.addi %mul3A_65, %add3A_179 : vector<16xi32>
      %ge3A_181 = arith.constant 16384 : i32
      %ge3A_182 = vector.broadcast %ge3A_181 : i32 to vector<16xi32>
      %ge3A_183 = arith.cmpi sge, %add3A_180, %ge3A_182 : vector<16xi32>
      %ge3A_184 = arith.constant 8192 : i32
      %ge3A_185 = vector.broadcast %ge3A_184 : i32 to vector<16xi32>
      %ge3A_186 = arith.cmpi sge, %add3A_180, %ge3A_185 : vector<16xi32>
      %jit3A_187 = arith.constant 1 : i32
      %jit3A_188 = arith.constant 0 : i32
      %broadcast_in_dim3A_189 = vector.broadcast %jit3A_187 : i32 to vector<16xi32>
      %broadcast_in_dim3A_190 = vector.broadcast %jit3A_188 : i32 to vector<16xi32>
      %select_n3A_191 = arith.select %ge3A_186, %broadcast_in_dim3A_189, %broadcast_in_dim3A_190 : vector<16xi1>, vector<16xi32>
      %jit3A_192 = arith.constant 2 : i32
      %broadcast_in_dim3A_193 = vector.broadcast %jit3A_192 : i32 to vector<16xi32>
      %select_n3A_194 = arith.select %ge3A_183, %broadcast_in_dim3A_193, %select_n3A_191 : vector<16xi1>, vector<16xi32>
      %mul3A_195 = arith.constant 8192 : i32
      %mul3A_196 = vector.broadcast %mul3A_195 : i32 to vector<16xi32>
      %mul3A_197 = arith.muli %select_n3A_194, %mul3A_196 : vector<16xi32>
      %sub3A_198 = arith.subi %add3A_180, %mul3A_197 : vector<16xi32>
      %and3A_199 = arith.constant 3 : i32
      %and3A_200 = vector.broadcast %and3A_199 : i32 to vector<16xi32>
      %and3A_201 = arith.andi %sub3A_198, %and3A_200 : vector<16xi32>
      %mul3A_202 = arith.constant 2048 : i32
      %mul3A_203 = vector.broadcast %mul3A_202 : i32 to vector<16xi32>
      %mul3A_204 = arith.muli %and3A_201, %mul3A_203 : vector<16xi32>
      %shift_right_logical3A_205 = arith.constant 2 : i32
      %shift_right_logical3A_206 = vector.broadcast %shift_right_logical3A_205 : i32 to vector<16xi32>
      %shift_right_logical3A_207 = arith.shrui %sub3A_198, %shift_right_logical3A_206 : vector<16xi32>
      %add3A_208 = arith.addi %mul3A_204, %shift_right_logical3A_207 : vector<16xi32>
      %gather3A_209 = tpu.vector_load_idx %arg6[%add3A_208] : memref<8192xi32, #tpu.memory_space<vmem>>[vector<16xi32>], vector<16xi32>,
      %mul3A_210 = arith.constant 3 : i32
      %mul3A_211 = vector.broadcast %mul3A_210 : i32 to vector<16xi32>
      %mul3A_212 = arith.muli %gather3A_209, %mul3A_211 : vector<16xi32>
      %add3A_213 = arith.addi %mul3A_212, %select_n3A_194 : vector<16xi32>
      %gather3A_214 = tpu.vector_load_idx %arg5[%add3A_213] : memref<6144xf32, #tpu.memory_space<vmem>>[vector<16xi32>], vector<16xf32>,
      %add3A_215 = arith.addf %add3A_177, %gather3A_214 : vector<16xf32>
      %mul3A_216 = arith.constant 3 : i32
      %mul3A_217 = vector.broadcast %mul3A_216 : i32 to vector<16xi32>
      %mul3A_218 = arith.muli %add3A_62, %mul3A_217 : vector<16xi32>
      %add3A_219 = arith.constant 0 : i32
      %add3A_220 = vector.broadcast %add3A_219 : i32 to vector<16xi32>
      %add3A_221 = arith.addi %mul3A_218, %add3A_220 : vector<16xi32>
      %gather3A_222 = tpu.vector_load_idx %arg5[%add3A_221] : memref<6144xf32, #tpu.memory_space<vmem>>[vector<16xi32>], vector<16xf32>,
      %mul3A_223 = arith.constant 2.500000e-01 : f32
      %mul3A_224 = vector.broadcast %mul3A_223 : f32 to vector<16xf32>
      %mul3A_225 = arith.mulf %add3A_215, %mul3A_224 : vector<16xf32>
      %sub3A_226 = arith.subf %gather3A_222, %mul3A_225 : vector<16xf32>
      %mul3A_227 = arith.constant 16 : i32
      %mul3A_228 = arith.muli %scan3A_57, %mul3A_227 : i32
      %add3A_229 = arith.constant 0 : i32
      %add3A_230 = arith.addi %add3A_229, %mul3A_228 : i32
      %add3A_231 = vector.broadcast %add3A_230 : i32 to vector<16xi32>
      %add3A_232 = arith.addi %add3A_231, %iota3A : vector<16xi32>
      tpu.vector_store_idx %arg7[%add3A_232], %sub3A_226 : memref<1536xf32, #tpu.memory_space<vmem>>[vector<16xi32>], vector<16xf32>,
      %broadcast_in_dim3A_233 = arith.constant 0.000000e+00 : f32
      %broadcast_in_dim3A_234 = vector.broadcast %broadcast_in_dim3A_233 : f32 to vector<16xf32>
      %add3A_235 = arith.constant 1 : i32
      %add3A_236 = vector.broadcast %add3A_235 : i32 to vector<16xi32>
      %add3A_237 = arith.addi %mul3A_65, %add3A_236 : vector<16xi32>
      %ge3A_238 = arith.constant 16384 : i32
      %ge3A_239 = vector.broadcast %ge3A_238 : i32 to vector<16xi32>
      %ge3A_240 = arith.cmpi sge, %add3A_237, %ge3A_239 : vector<16xi32>
      %ge3A_241 = arith.constant 8192 : i32
      %ge3A_242 = vector.broadcast %ge3A_241 : i32 to vector<16xi32>
      %ge3A_243 = arith.cmpi sge, %add3A_237, %ge3A_242 : vector<16xi32>
      %jit3A_244 = arith.constant 1 : i32
      %jit3A_245 = arith.constant 0 : i32
      %broadcast_in_dim3A_246 = vector.broadcast %jit3A_244 : i32 to vector<16xi32>
      %broadcast_in_dim3A_247 = vector.broadcast %jit3A_245 : i32 to vector<16xi32>
      %select_n3A_248 = arith.select %ge3A_243, %broadcast_in_dim3A_246, %broadcast_in_dim3A_247 : vector<16xi1>, vector<16xi32>
      %jit3A_249 = arith.constant 2 : i32
      %broadcast_in_dim3A_250 = vector.broadcast %jit3A_249 : i32 to vector<16xi32>
      %select_n3A_251 = arith.select %ge3A_240, %broadcast_in_dim3A_250, %select_n3A_248 : vector<16xi1>, vector<16xi32>
      %mul3A_252 = arith.constant 8192 : i32
      %mul3A_253 = vector.broadcast %mul3A_252 : i32 to vector<16xi32>
      %mul3A_254 = arith.muli %select_n3A_251, %mul3A_253 : vector<16xi32>
      %sub3A_255 = arith.subi %add3A_237, %mul3A_254 : vector<16xi32>
      %and3A_256 = arith.constant 3 : i32
      %and3A_257 = vector.broadcast %and3A_256 : i32 to vector<16xi32>
      %and3A_258 = arith.andi %sub3A_255, %and3A_257 : vector<16xi32>
      %mul3A_259 = arith.constant 2048 : i32
      %mul3A_260 = vector.broadcast %mul3A_259 : i32 to vector<16xi32>
      %mul3A_261 = arith.muli %and3A_258, %mul3A_260 : vector<16xi32>
      %shift_right_logical3A_262 = arith.constant 2 : i32
      %shift_right_logical3A_263 = vector.broadcast %shift_right_logical3A_262 : i32 to vector<16xi32>
      %shift_right_logical3A_264 = arith.shrui %sub3A_255, %shift_right_logical3A_263 : vector<16xi32>
      %add3A_265 = arith.addi %mul3A_261, %shift_right_logical3A_264 : vector<16xi32>
      %gather3A_266 = tpu.vector_load_idx %arg6[%add3A_265] : memref<8192xi32, #tpu.memory_space<vmem>>[vector<16xi32>], vector<16xi32>,
      %mul3A_267 = arith.constant 3 : i32
      %mul3A_268 = vector.broadcast %mul3A_267 : i32 to vector<16xi32>
      %mul3A_269 = arith.muli %gather3A_266, %mul3A_268 : vector<16xi32>
      %add3A_270 = arith.addi %mul3A_269, %select_n3A_251 : vector<16xi32>
      %gather3A_271 = tpu.vector_load_idx %arg5[%add3A_270] : memref<6144xf32, #tpu.memory_space<vmem>>[vector<16xi32>], vector<16xf32>,
      %add3A_272 = arith.addf %broadcast_in_dim3A_234, %gather3A_271 : vector<16xf32>
      %add3A_273 = arith.constant 4 : i32
      %add3A_274 = vector.broadcast %add3A_273 : i32 to vector<16xi32>
      %add3A_275 = arith.addi %mul3A_65, %add3A_274 : vector<16xi32>
      %ge3A_276 = arith.constant 16384 : i32
      %ge3A_277 = vector.broadcast %ge3A_276 : i32 to vector<16xi32>
      %ge3A_278 = arith.cmpi sge, %add3A_275, %ge3A_277 : vector<16xi32>
      %ge3A_279 = arith.constant 8192 : i32
      %ge3A_280 = vector.broadcast %ge3A_279 : i32 to vector<16xi32>
      %ge3A_281 = arith.cmpi sge, %add3A_275, %ge3A_280 : vector<16xi32>
      %jit3A_282 = arith.constant 1 : i32
      %jit3A_283 = arith.constant 0 : i32
      %broadcast_in_dim3A_284 = vector.broadcast %jit3A_282 : i32 to vector<16xi32>
      %broadcast_in_dim3A_285 = vector.broadcast %jit3A_283 : i32 to vector<16xi32>
      %select_n3A_286 = arith.select %ge3A_281, %broadcast_in_dim3A_284, %broadcast_in_dim3A_285 : vector<16xi1>, vector<16xi32>
      %jit3A_287 = arith.constant 2 : i32
      %broadcast_in_dim3A_288 = vector.broadcast %jit3A_287 : i32 to vector<16xi32>
      %select_n3A_289 = arith.select %ge3A_278, %broadcast_in_dim3A_288, %select_n3A_286 : vector<16xi1>, vector<16xi32>
      %mul3A_290 = arith.constant 8192 : i32
      %mul3A_291 = vector.broadcast %mul3A_290 : i32 to vector<16xi32>
      %mul3A_292 = arith.muli %select_n3A_289, %mul3A_291 : vector<16xi32>
      %sub3A_293 = arith.subi %add3A_275, %mul3A_292 : vector<16xi32>
      %and3A_294 = arith.constant 3 : i32
      %and3A_295 = vector.broadcast %and3A_294 : i32 to vector<16xi32>
      %and3A_296 = arith.andi %sub3A_293, %and3A_295 : vector<16xi32>
      %mul3A_297 = arith.constant 2048 : i32
      %mul3A_298 = vector.broadcast %mul3A_297 : i32 to vector<16xi32>
      %mul3A_299 = arith.muli %and3A_296, %mul3A_298 : vector<16xi32>
      %shift_right_logical3A_300 = arith.constant 2 : i32
      %shift_right_logical3A_301 = vector.broadcast %shift_right_logical3A_300 : i32 to vector<16xi32>
      %shift_right_logical3A_302 = arith.shrui %sub3A_293, %shift_right_logical3A_301 : vector<16xi32>
      %add3A_303 = arith.addi %mul3A_299, %shift_right_logical3A_302 : vector<16xi32>
      %gather3A_304 = tpu.vector_load_idx %arg6[%add3A_303] : memref<8192xi32, #tpu.memory_space<vmem>>[vector<16xi32>], vector<16xi32>,
      %mul3A_305 = arith.constant 3 : i32
      %mul3A_306 = vector.broadcast %mul3A_305 : i32 to vector<16xi32>
      %mul3A_307 = arith.muli %gather3A_304, %mul3A_306 : vector<16xi32>
      %add3A_308 = arith.addi %mul3A_307, %select_n3A_289 : vector<16xi32>
      %gather3A_309 = tpu.vector_load_idx %arg5[%add3A_308] : memref<6144xf32, #tpu.memory_space<vmem>>[vector<16xi32>], vector<16xf32>,
      %add3A_310 = arith.addf %add3A_272, %gather3A_309 : vector<16xf32>
      %add3A_311 = arith.constant 7 : i32
      %add3A_312 = vector.broadcast %add3A_311 : i32 to vector<16xi32>
      %add3A_313 = arith.addi %mul3A_65, %add3A_312 : vector<16xi32>
      %ge3A_314 = arith.constant 16384 : i32
      %ge3A_315 = vector.broadcast %ge3A_314 : i32 to vector<16xi32>
      %ge3A_316 = arith.cmpi sge, %add3A_313, %ge3A_315 : vector<16xi32>
      %ge3A_317 = arith.constant 8192 : i32
      %ge3A_318 = vector.broadcast %ge3A_317 : i32 to vector<16xi32>
      %ge3A_319 = arith.cmpi sge, %add3A_313, %ge3A_318 : vector<16xi32>
      %jit3A_320 = arith.constant 1 : i32
      %jit3A_321 = arith.constant 0 : i32
      %broadcast_in_dim3A_322 = vector.broadcast %jit3A_320 : i32 to vector<16xi32>
      %broadcast_in_dim3A_323 = vector.broadcast %jit3A_321 : i32 to vector<16xi32>
      %select_n3A_324 = arith.select %ge3A_319, %broadcast_in_dim3A_322, %broadcast_in_dim3A_323 : vector<16xi1>, vector<16xi32>
      %jit3A_325 = arith.constant 2 : i32
      %broadcast_in_dim3A_326 = vector.broadcast %jit3A_325 : i32 to vector<16xi32>
      %select_n3A_327 = arith.select %ge3A_316, %broadcast_in_dim3A_326, %select_n3A_324 : vector<16xi1>, vector<16xi32>
      %mul3A_328 = arith.constant 8192 : i32
      %mul3A_329 = vector.broadcast %mul3A_328 : i32 to vector<16xi32>
      %mul3A_330 = arith.muli %select_n3A_327, %mul3A_329 : vector<16xi32>
      %sub3A_331 = arith.subi %add3A_313, %mul3A_330 : vector<16xi32>
      %and3A_332 = arith.constant 3 : i32
      %and3A_333 = vector.broadcast %and3A_332 : i32 to vector<16xi32>
      %and3A_334 = arith.andi %sub3A_331, %and3A_333 : vector<16xi32>
      %mul3A_335 = arith.constant 2048 : i32
      %mul3A_336 = vector.broadcast %mul3A_335 : i32 to vector<16xi32>
      %mul3A_337 = arith.muli %and3A_334, %mul3A_336 : vector<16xi32>
      %shift_right_logical3A_338 = arith.constant 2 : i32
      %shift_right_logical3A_339 = vector.broadcast %shift_right_logical3A_338 : i32 to vector<16xi32>
      %shift_right_logical3A_340 = arith.shrui %sub3A_331, %shift_right_logical3A_339 : vector<16xi32>
      %add3A_341 = arith.addi %mul3A_337, %shift_right_logical3A_340 : vector<16xi32>
      %gather3A_342 = tpu.vector_load_idx %arg6[%add3A_341] : memref<8192xi32, #tpu.memory_space<vmem>>[vector<16xi32>], vector<16xi32>,
      %mul3A_343 = arith.constant 3 : i32
      %mul3A_344 = vector.broadcast %mul3A_343 : i32 to vector<16xi32>
      %mul3A_345 = arith.muli %gather3A_342, %mul3A_344 : vector<16xi32>
      %add3A_346 = arith.addi %mul3A_345, %select_n3A_327 : vector<16xi32>
      %gather3A_347 = tpu.vector_load_idx %arg5[%add3A_346] : memref<6144xf32, #tpu.memory_space<vmem>>[vector<16xi32>], vector<16xf32>,
      %add3A_348 = arith.addf %add3A_310, %gather3A_347 : vector<16xf32>
      %add3A_349 = arith.constant 10 : i32
      %add3A_350 = vector.broadcast %add3A_349 : i32 to vector<16xi32>
      %add3A_351 = arith.addi %mul3A_65, %add3A_350 : vector<16xi32>
      %ge3A_352 = arith.constant 16384 : i32
      %ge3A_353 = vector.broadcast %ge3A_352 : i32 to vector<16xi32>
      %ge3A_354 = arith.cmpi sge, %add3A_351, %ge3A_353 : vector<16xi32>
      %ge3A_355 = arith.constant 8192 : i32
      %ge3A_356 = vector.broadcast %ge3A_355 : i32 to vector<16xi32>
      %ge3A_357 = arith.cmpi sge, %add3A_351, %ge3A_356 : vector<16xi32>
      %jit3A_358 = arith.constant 1 : i32
      %jit3A_359 = arith.constant 0 : i32
      %broadcast_in_dim3A_360 = vector.broadcast %jit3A_358 : i32 to vector<16xi32>
      %broadcast_in_dim3A_361 = vector.broadcast %jit3A_359 : i32 to vector<16xi32>
      %select_n3A_362 = arith.select %ge3A_357, %broadcast_in_dim3A_360, %broadcast_in_dim3A_361 : vector<16xi1>, vector<16xi32>
      %jit3A_363 = arith.constant 2 : i32
      %broadcast_in_dim3A_364 = vector.broadcast %jit3A_363 : i32 to vector<16xi32>
      %select_n3A_365 = arith.select %ge3A_354, %broadcast_in_dim3A_364, %select_n3A_362 : vector<16xi1>, vector<16xi32>
      %mul3A_366 = arith.constant 8192 : i32
      %mul3A_367 = vector.broadcast %mul3A_366 : i32 to vector<16xi32>
      %mul3A_368 = arith.muli %select_n3A_365, %mul3A_367 : vector<16xi32>
      %sub3A_369 = arith.subi %add3A_351, %mul3A_368 : vector<16xi32>
      %and3A_370 = arith.constant 3 : i32
      %and3A_371 = vector.broadcast %and3A_370 : i32 to vector<16xi32>
      %and3A_372 = arith.andi %sub3A_369, %and3A_371 : vector<16xi32>
      %mul3A_373 = arith.constant 2048 : i32
      %mul3A_374 = vector.broadcast %mul3A_373 : i32 to vector<16xi32>
      %mul3A_375 = arith.muli %and3A_372, %mul3A_374 : vector<16xi32>
      %shift_right_logical3A_376 = arith.constant 2 : i32
      %shift_right_logical3A_377 = vector.broadcast %shift_right_logical3A_376 : i32 to vector<16xi32>
      %shift_right_logical3A_378 = arith.shrui %sub3A_369, %shift_right_logical3A_377 : vector<16xi32>
      %add3A_379 = arith.addi %mul3A_375, %shift_right_logical3A_378 : vector<16xi32>
      %gather3A_380 = tpu.vector_load_idx %arg6[%add3A_379] : memref<8192xi32, #tpu.memory_space<vmem>>[vector<16xi32>], vector<16xi32>,
      %mul3A_381 = arith.constant 3 : i32
      %mul3A_382 = vector.broadcast %mul3A_381 : i32 to vector<16xi32>
      %mul3A_383 = arith.muli %gather3A_380, %mul3A_382 : vector<16xi32>
      %add3A_384 = arith.addi %mul3A_383, %select_n3A_365 : vector<16xi32>
      %gather3A_385 = tpu.vector_load_idx %arg5[%add3A_384] : memref<6144xf32, #tpu.memory_space<vmem>>[vector<16xi32>], vector<16xf32>,
      %add3A_386 = arith.addf %add3A_348, %gather3A_385 : vector<16xf32>
      %mul3A_387 = arith.constant 3 : i32
      %mul3A_388 = vector.broadcast %mul3A_387 : i32 to vector<16xi32>
      %mul3A_389 = arith.muli %add3A_62, %mul3A_388 : vector<16xi32>
      %add3A_390 = arith.constant 1 : i32
      %add3A_391 = vector.broadcast %add3A_390 : i32 to vector<16xi32>
      %add3A_392 = arith.addi %mul3A_389, %add3A_391 : vector<16xi32>
      %gather3A_393 = tpu.vector_load_idx %arg5[%add3A_392] : memref<6144xf32, #tpu.memory_space<vmem>>[vector<16xi32>], vector<16xf32>,
      %mul3A_394 = arith.constant 2.500000e-01 : f32
      %mul3A_395 = vector.broadcast %mul3A_394 : f32 to vector<16xf32>
      %mul3A_396 = arith.mulf %add3A_386, %mul3A_395 : vector<16xf32>
      %sub3A_397 = arith.subf %gather3A_393, %mul3A_396 : vector<16xf32>
      %mul3A_398 = arith.constant 16 : i32
      %mul3A_399 = arith.muli %scan3A_57, %mul3A_398 : i32
      %add3A_400 = arith.constant 512 : i32
      %add3A_401 = arith.addi %add3A_400, %mul3A_399 : i32
      %add3A_402 = vector.broadcast %add3A_401 : i32 to vector<16xi32>
      %add3A_403 = arith.addi %add3A_402, %iota3A : vector<16xi32>
      tpu.vector_store_idx %arg7[%add3A_403], %sub3A_397 : memref<1536xf32, #tpu.memory_space<vmem>>[vector<16xi32>], vector<16xf32>,
      %broadcast_in_dim3A_404 = arith.constant 0.000000e+00 : f32
      %broadcast_in_dim3A_405 = vector.broadcast %broadcast_in_dim3A_404 : f32 to vector<16xf32>
      %add3A_406 = arith.constant 2 : i32
      %add3A_407 = vector.broadcast %add3A_406 : i32 to vector<16xi32>
      %add3A_408 = arith.addi %mul3A_65, %add3A_407 : vector<16xi32>
      %ge3A_409 = arith.constant 16384 : i32
      %ge3A_410 = vector.broadcast %ge3A_409 : i32 to vector<16xi32>
      %ge3A_411 = arith.cmpi sge, %add3A_408, %ge3A_410 : vector<16xi32>
      %ge3A_412 = arith.constant 8192 : i32
      %ge3A_413 = vector.broadcast %ge3A_412 : i32 to vector<16xi32>
      %ge3A_414 = arith.cmpi sge, %add3A_408, %ge3A_413 : vector<16xi32>
      %jit3A_415 = arith.constant 1 : i32
      %jit3A_416 = arith.constant 0 : i32
      %broadcast_in_dim3A_417 = vector.broadcast %jit3A_415 : i32 to vector<16xi32>
      %broadcast_in_dim3A_418 = vector.broadcast %jit3A_416 : i32 to vector<16xi32>
      %select_n3A_419 = arith.select %ge3A_414, %broadcast_in_dim3A_417, %broadcast_in_dim3A_418 : vector<16xi1>, vector<16xi32>
      %jit3A_420 = arith.constant 2 : i32
      %broadcast_in_dim3A_421 = vector.broadcast %jit3A_420 : i32 to vector<16xi32>
      %select_n3A_422 = arith.select %ge3A_411, %broadcast_in_dim3A_421, %select_n3A_419 : vector<16xi1>, vector<16xi32>
      %mul3A_423 = arith.constant 8192 : i32
      %mul3A_424 = vector.broadcast %mul3A_423 : i32 to vector<16xi32>
      %mul3A_425 = arith.muli %select_n3A_422, %mul3A_424 : vector<16xi32>
      %sub3A_426 = arith.subi %add3A_408, %mul3A_425 : vector<16xi32>
      %and3A_427 = arith.constant 3 : i32
      %and3A_428 = vector.broadcast %and3A_427 : i32 to vector<16xi32>
      %and3A_429 = arith.andi %sub3A_426, %and3A_428 : vector<16xi32>
      %mul3A_430 = arith.constant 2048 : i32
      %mul3A_431 = vector.broadcast %mul3A_430 : i32 to vector<16xi32>
      %mul3A_432 = arith.muli %and3A_429, %mul3A_431 : vector<16xi32>
      %shift_right_logical3A_433 = arith.constant 2 : i32
      %shift_right_logical3A_434 = vector.broadcast %shift_right_logical3A_433 : i32 to vector<16xi32>
      %shift_right_logical3A_435 = arith.shrui %sub3A_426, %shift_right_logical3A_434 : vector<16xi32>
      %add3A_436 = arith.addi %mul3A_432, %shift_right_logical3A_435 : vector<16xi32>
      %gather3A_437 = tpu.vector_load_idx %arg6[%add3A_436] : memref<8192xi32, #tpu.memory_space<vmem>>[vector<16xi32>], vector<16xi32>,
      %mul3A_438 = arith.constant 3 : i32
      %mul3A_439 = vector.broadcast %mul3A_438 : i32 to vector<16xi32>
      %mul3A_440 = arith.muli %gather3A_437, %mul3A_439 : vector<16xi32>
      %add3A_441 = arith.addi %mul3A_440, %select_n3A_422 : vector<16xi32>
      %gather3A_442 = tpu.vector_load_idx %arg5[%add3A_441] : memref<6144xf32, #tpu.memory_space<vmem>>[vector<16xi32>], vector<16xf32>,
      %add3A_443 = arith.addf %broadcast_in_dim3A_405, %gather3A_442 : vector<16xf32>
      %add3A_444 = arith.constant 5 : i32
      %add3A_445 = vector.broadcast %add3A_444 : i32 to vector<16xi32>
      %add3A_446 = arith.addi %mul3A_65, %add3A_445 : vector<16xi32>
      %ge3A_447 = arith.constant 16384 : i32
      %ge3A_448 = vector.broadcast %ge3A_447 : i32 to vector<16xi32>
      %ge3A_449 = arith.cmpi sge, %add3A_446, %ge3A_448 : vector<16xi32>
      %ge3A_450 = arith.constant 8192 : i32
      %ge3A_451 = vector.broadcast %ge3A_450 : i32 to vector<16xi32>
      %ge3A_452 = arith.cmpi sge, %add3A_446, %ge3A_451 : vector<16xi32>
      %jit3A_453 = arith.constant 1 : i32
      %jit3A_454 = arith.constant 0 : i32
      %broadcast_in_dim3A_455 = vector.broadcast %jit3A_453 : i32 to vector<16xi32>
      %broadcast_in_dim3A_456 = vector.broadcast %jit3A_454 : i32 to vector<16xi32>
      %select_n3A_457 = arith.select %ge3A_452, %broadcast_in_dim3A_455, %broadcast_in_dim3A_456 : vector<16xi1>, vector<16xi32>
      %jit3A_458 = arith.constant 2 : i32
      %broadcast_in_dim3A_459 = vector.broadcast %jit3A_458 : i32 to vector<16xi32>
      %select_n3A_460 = arith.select %ge3A_449, %broadcast_in_dim3A_459, %select_n3A_457 : vector<16xi1>, vector<16xi32>
      %mul3A_461 = arith.constant 8192 : i32
      %mul3A_462 = vector.broadcast %mul3A_461 : i32 to vector<16xi32>
      %mul3A_463 = arith.muli %select_n3A_460, %mul3A_462 : vector<16xi32>
      %sub3A_464 = arith.subi %add3A_446, %mul3A_463 : vector<16xi32>
      %and3A_465 = arith.constant 3 : i32
      %and3A_466 = vector.broadcast %and3A_465 : i32 to vector<16xi32>
      %and3A_467 = arith.andi %sub3A_464, %and3A_466 : vector<16xi32>
      %mul3A_468 = arith.constant 2048 : i32
      %mul3A_469 = vector.broadcast %mul3A_468 : i32 to vector<16xi32>
      %mul3A_470 = arith.muli %and3A_467, %mul3A_469 : vector<16xi32>
      %shift_right_logical3A_471 = arith.constant 2 : i32
      %shift_right_logical3A_472 = vector.broadcast %shift_right_logical3A_471 : i32 to vector<16xi32>
      %shift_right_logical3A_473 = arith.shrui %sub3A_464, %shift_right_logical3A_472 : vector<16xi32>
      %add3A_474 = arith.addi %mul3A_470, %shift_right_logical3A_473 : vector<16xi32>
      %gather3A_475 = tpu.vector_load_idx %arg6[%add3A_474] : memref<8192xi32, #tpu.memory_space<vmem>>[vector<16xi32>], vector<16xi32>,
      %mul3A_476 = arith.constant 3 : i32
      %mul3A_477 = vector.broadcast %mul3A_476 : i32 to vector<16xi32>
      %mul3A_478 = arith.muli %gather3A_475, %mul3A_477 : vector<16xi32>
      %add3A_479 = arith.addi %mul3A_478, %select_n3A_460 : vector<16xi32>
      %gather3A_480 = tpu.vector_load_idx %arg5[%add3A_479] : memref<6144xf32, #tpu.memory_space<vmem>>[vector<16xi32>], vector<16xf32>,
      %add3A_481 = arith.addf %add3A_443, %gather3A_480 : vector<16xf32>
      %add3A_482 = arith.constant 8 : i32
      %add3A_483 = vector.broadcast %add3A_482 : i32 to vector<16xi32>
      %add3A_484 = arith.addi %mul3A_65, %add3A_483 : vector<16xi32>
      %ge3A_485 = arith.constant 16384 : i32
      %ge3A_486 = vector.broadcast %ge3A_485 : i32 to vector<16xi32>
      %ge3A_487 = arith.cmpi sge, %add3A_484, %ge3A_486 : vector<16xi32>
      %ge3A_488 = arith.constant 8192 : i32
      %ge3A_489 = vector.broadcast %ge3A_488 : i32 to vector<16xi32>
      %ge3A_490 = arith.cmpi sge, %add3A_484, %ge3A_489 : vector<16xi32>
      %jit3A_491 = arith.constant 1 : i32
      %jit3A_492 = arith.constant 0 : i32
      %broadcast_in_dim3A_493 = vector.broadcast %jit3A_491 : i32 to vector<16xi32>
      %broadcast_in_dim3A_494 = vector.broadcast %jit3A_492 : i32 to vector<16xi32>
      %select_n3A_495 = arith.select %ge3A_490, %broadcast_in_dim3A_493, %broadcast_in_dim3A_494 : vector<16xi1>, vector<16xi32>
      %jit3A_496 = arith.constant 2 : i32
      %broadcast_in_dim3A_497 = vector.broadcast %jit3A_496 : i32 to vector<16xi32>
      %select_n3A_498 = arith.select %ge3A_487, %broadcast_in_dim3A_497, %select_n3A_495 : vector<16xi1>, vector<16xi32>
      %mul3A_499 = arith.constant 8192 : i32
      %mul3A_500 = vector.broadcast %mul3A_499 : i32 to vector<16xi32>
      %mul3A_501 = arith.muli %select_n3A_498, %mul3A_500 : vector<16xi32>
      %sub3A_502 = arith.subi %add3A_484, %mul3A_501 : vector<16xi32>
      %and3A_503 = arith.constant 3 : i32
      %and3A_504 = vector.broadcast %and3A_503 : i32 to vector<16xi32>
      %and3A_505 = arith.andi %sub3A_502, %and3A_504 : vector<16xi32>
      %mul3A_506 = arith.constant 2048 : i32
      %mul3A_507 = vector.broadcast %mul3A_506 : i32 to vector<16xi32>
      %mul3A_508 = arith.muli %and3A_505, %mul3A_507 : vector<16xi32>
      %shift_right_logical3A_509 = arith.constant 2 : i32
      %shift_right_logical3A_510 = vector.broadcast %shift_right_logical3A_509 : i32 to vector<16xi32>
      %shift_right_logical3A_511 = arith.shrui %sub3A_502, %shift_right_logical3A_510 : vector<16xi32>
      %add3A_512 = arith.addi %mul3A_508, %shift_right_logical3A_511 : vector<16xi32>
      %gather3A_513 = tpu.vector_load_idx %arg6[%add3A_512] : memref<8192xi32, #tpu.memory_space<vmem>>[vector<16xi32>], vector<16xi32>,
      %mul3A_514 = arith.constant 3 : i32
      %mul3A_515 = vector.broadcast %mul3A_514 : i32 to vector<16xi32>
      %mul3A_516 = arith.muli %gather3A_513, %mul3A_515 : vector<16xi32>
      %add3A_517 = arith.addi %mul3A_516, %select_n3A_498 : vector<16xi32>
      %gather3A_518 = tpu.vector_load_idx %arg5[%add3A_517] : memref<6144xf32, #tpu.memory_space<vmem>>[vector<16xi32>], vector<16xf32>,
      %add3A_519 = arith.addf %add3A_481, %gather3A_518 : vector<16xf32>
      %add3A_520 = arith.constant 11 : i32
      %add3A_521 = vector.broadcast %add3A_520 : i32 to vector<16xi32>
      %add3A_522 = arith.addi %mul3A_65, %add3A_521 : vector<16xi32>
      %ge3A_523 = arith.constant 16384 : i32
      %ge3A_524 = vector.broadcast %ge3A_523 : i32 to vector<16xi32>
      %ge3A_525 = arith.cmpi sge, %add3A_522, %ge3A_524 : vector<16xi32>
      %ge3A_526 = arith.constant 8192 : i32
      %ge3A_527 = vector.broadcast %ge3A_526 : i32 to vector<16xi32>
      %ge3A_528 = arith.cmpi sge, %add3A_522, %ge3A_527 : vector<16xi32>
      %jit3A_529 = arith.constant 1 : i32
      %jit3A_530 = arith.constant 0 : i32
      %broadcast_in_dim3A_531 = vector.broadcast %jit3A_529 : i32 to vector<16xi32>
      %broadcast_in_dim3A_532 = vector.broadcast %jit3A_530 : i32 to vector<16xi32>
      %select_n3A_533 = arith.select %ge3A_528, %broadcast_in_dim3A_531, %broadcast_in_dim3A_532 : vector<16xi1>, vector<16xi32>
      %jit3A_534 = arith.constant 2 : i32
      %broadcast_in_dim3A_535 = vector.broadcast %jit3A_534 : i32 to vector<16xi32>
      %select_n3A_536 = arith.select %ge3A_525, %broadcast_in_dim3A_535, %select_n3A_533 : vector<16xi1>, vector<16xi32>
      %mul3A_537 = arith.constant 8192 : i32
      %mul3A_538 = vector.broadcast %mul3A_537 : i32 to vector<16xi32>
      %mul3A_539 = arith.muli %select_n3A_536, %mul3A_538 : vector<16xi32>
      %sub3A_540 = arith.subi %add3A_522, %mul3A_539 : vector<16xi32>
      %and3A_541 = arith.constant 3 : i32
      %and3A_542 = vector.broadcast %and3A_541 : i32 to vector<16xi32>
      %and3A_543 = arith.andi %sub3A_540, %and3A_542 : vector<16xi32>
      %mul3A_544 = arith.constant 2048 : i32
      %mul3A_545 = vector.broadcast %mul3A_544 : i32 to vector<16xi32>
      %mul3A_546 = arith.muli %and3A_543, %mul3A_545 : vector<16xi32>
      %shift_right_logical3A_547 = arith.constant 2 : i32
      %shift_right_logical3A_548 = vector.broadcast %shift_right_logical3A_547 : i32 to vector<16xi32>
      %shift_right_logical3A_549 = arith.shrui %sub3A_540, %shift_right_logical3A_548 : vector<16xi32>
      %add3A_550 = arith.addi %mul3A_546, %shift_right_logical3A_549 : vector<16xi32>
      %gather3A_551 = tpu.vector_load_idx %arg6[%add3A_550] : memref<8192xi32, #tpu.memory_space<vmem>>[vector<16xi32>], vector<16xi32>,
      %mul3A_552 = arith.constant 3 : i32
      %mul3A_553 = vector.broadcast %mul3A_552 : i32 to vector<16xi32>
      %mul3A_554 = arith.muli %gather3A_551, %mul3A_553 : vector<16xi32>
      %add3A_555 = arith.addi %mul3A_554, %select_n3A_536 : vector<16xi32>
      %gather3A_556 = tpu.vector_load_idx %arg5[%add3A_555] : memref<6144xf32, #tpu.memory_space<vmem>>[vector<16xi32>], vector<16xf32>,
      %add3A_557 = arith.addf %add3A_519, %gather3A_556 : vector<16xf32>
      %mul3A_558 = arith.constant 3 : i32
      %mul3A_559 = vector.broadcast %mul3A_558 : i32 to vector<16xi32>
      %mul3A_560 = arith.muli %add3A_62, %mul3A_559 : vector<16xi32>
      %add3A_561 = arith.constant 2 : i32
      %add3A_562 = vector.broadcast %add3A_561 : i32 to vector<16xi32>
      %add3A_563 = arith.addi %mul3A_560, %add3A_562 : vector<16xi32>
      %gather3A_564 = tpu.vector_load_idx %arg5[%add3A_563] : memref<6144xf32, #tpu.memory_space<vmem>>[vector<16xi32>], vector<16xf32>,
      %mul3A_565 = arith.constant 2.500000e-01 : f32
      %mul3A_566 = vector.broadcast %mul3A_565 : f32 to vector<16xf32>
      %mul3A_567 = arith.mulf %add3A_557, %mul3A_566 : vector<16xf32>
      %sub3A_568 = arith.subf %gather3A_564, %mul3A_567 : vector<16xf32>
      %mul3A_569 = arith.constant 16 : i32
      %mul3A_570 = arith.muli %scan3A_57, %mul3A_569 : i32
      %add3A_571 = arith.constant 1024 : i32
      %add3A_572 = arith.addi %add3A_571, %mul3A_570 : i32
      %add3A_573 = vector.broadcast %add3A_572 : i32 to vector<16xi32>
      %add3A_574 = arith.addi %add3A_573, %iota3A : vector<16xi32>
      tpu.vector_store_idx %arg7[%add3A_574], %sub3A_568 : memref<1536xf32, #tpu.memory_space<vmem>>[vector<16xi32>], vector<16xf32>,
    }
    %scan3A_41 = arith.constant 32 : i32
    %mul3A_42 = arith.constant 6144 : i32
    %mul3A_43 = arith.muli %select_n3A, %mul3A_42 : i32
    %add3A_44 = arith.constant 0 : i32
    %add3A_45 = arith.addi %mul3A_43, %add3A_44 : i32
    %add3A_46 = arith.addi %add3A_45, %mul3A_32 : i32
    "tpu.region"() ({
      %run_scoped3A = tpu.sem_alloc : memref<!tpu.dma_semaphore, #tpu.memory_space<semaphore_mem>>
      %dma_start3A = arith.constant 0 : i32
      %dma_start3A_57 = tpu.memref_slice %arg7[%dma_start3A] : memref<1536xf32, #tpu.memory_space<vmem>> -> memref<512xf32, #tpu.memory_space<vmem>>
      %dma_start3A_58 = tpu.memref_slice %arg4[%add3A_46] : memref<49152xf32, #tpu.memory_space<hbm>> -> memref<512xf32, #tpu.memory_space<hbm>>
      %dma_start3A_59 = tpu.memref_slice %arg4[%add3A_46] : memref<49152xf32, #tpu.memory_space<hbm>> -> memref<512xf32, #tpu.memory_space<hbm>>
      %dma_start3A_60 = arith.constant 0 : i32
      %dma_start3A_61 = tpu.memref_slice %arg7[%dma_start3A_60] : memref<1536xf32, #tpu.memory_space<vmem>> -> memref<512xf32, #tpu.memory_space<vmem>>
      tpu.enqueue_dma source(%dma_start3A_61 : memref<512xf32, #tpu.memory_space<vmem>>) target(%dma_start3A_59 : memref<512xf32, #tpu.memory_space<hbm>>) target_semaphore(%run_scoped3A : memref<!tpu.dma_semaphore, #tpu.memory_space<semaphore_mem>>)
      %dma_wait3A = arith.constant 0 : i32
      %dma_wait3A_62 = tpu.memref_slice %arg7[%dma_wait3A] : memref<1536xf32, #tpu.memory_space<vmem>> -> memref<512xf32, #tpu.memory_space<vmem>>
      %dma_wait3A_63 = tpu.memref_slice %arg4[%add3A_46] : memref<49152xf32, #tpu.memory_space<hbm>> -> memref<512xf32, #tpu.memory_space<hbm>>
      %dma_wait3A_64 = tpu.memref_slice %arg4[%add3A_46] : memref<49152xf32, #tpu.memory_space<hbm>> -> memref<512xf32, #tpu.memory_space<hbm>>
      %dma_wait3A_65 = arith.constant 0 : i32
      %dma_wait3A_66 = tpu.memref_slice %arg7[%dma_wait3A_65] : memref<1536xf32, #tpu.memory_space<vmem>> -> memref<512xf32, #tpu.memory_space<vmem>>
      tpu.wait_dma2 semaphore(%run_scoped3A : memref<!tpu.dma_semaphore, #tpu.memory_space<semaphore_mem>>) src(%dma_wait3A_66 : memref<512xf32, #tpu.memory_space<vmem>>) dst(%dma_wait3A_64 : memref<512xf32, #tpu.memory_space<hbm>>)
      tpu.yield
    }) : () -> ()
    %mul3A_47 = arith.constant 6144 : i32
    %mul3A_48 = arith.muli %select_n3A, %mul3A_47 : i32
    %add3A_49 = arith.constant 2048 : i32
    %add3A_50 = arith.addi %mul3A_48, %add3A_49 : i32
    %add3A_51 = arith.addi %add3A_50, %mul3A_32 : i32
    "tpu.region"() ({
      %run_scoped3A = tpu.sem_alloc : memref<!tpu.dma_semaphore, #tpu.memory_space<semaphore_mem>>
      %dma_start3A = arith.constant 512 : i32
      %dma_start3A_57 = tpu.memref_slice %arg7[%dma_start3A] : memref<1536xf32, #tpu.memory_space<vmem>> -> memref<512xf32, #tpu.memory_space<vmem>>
      %dma_start3A_58 = tpu.memref_slice %arg4[%add3A_51] : memref<49152xf32, #tpu.memory_space<hbm>> -> memref<512xf32, #tpu.memory_space<hbm>>
      %dma_start3A_59 = tpu.memref_slice %arg4[%add3A_51] : memref<49152xf32, #tpu.memory_space<hbm>> -> memref<512xf32, #tpu.memory_space<hbm>>
      %dma_start3A_60 = arith.constant 512 : i32
      %dma_start3A_61 = tpu.memref_slice %arg7[%dma_start3A_60] : memref<1536xf32, #tpu.memory_space<vmem>> -> memref<512xf32, #tpu.memory_space<vmem>>
      tpu.enqueue_dma source(%dma_start3A_61 : memref<512xf32, #tpu.memory_space<vmem>>) target(%dma_start3A_59 : memref<512xf32, #tpu.memory_space<hbm>>) target_semaphore(%run_scoped3A : memref<!tpu.dma_semaphore, #tpu.memory_space<semaphore_mem>>)
      %dma_wait3A = arith.constant 512 : i32
      %dma_wait3A_62 = tpu.memref_slice %arg7[%dma_wait3A] : memref<1536xf32, #tpu.memory_space<vmem>> -> memref<512xf32, #tpu.memory_space<vmem>>
      %dma_wait3A_63 = tpu.memref_slice %arg4[%add3A_51] : memref<49152xf32, #tpu.memory_space<hbm>> -> memref<512xf32, #tpu.memory_space<hbm>>
      %dma_wait3A_64 = tpu.memref_slice %arg4[%add3A_51] : memref<49152xf32, #tpu.memory_space<hbm>> -> memref<512xf32, #tpu.memory_space<hbm>>
      %dma_wait3A_65 = arith.constant 512 : i32
      %dma_wait3A_66 = tpu.memref_slice %arg7[%dma_wait3A_65] : memref<1536xf32, #tpu.memory_space<vmem>> -> memref<512xf32, #tpu.memory_space<vmem>>
      tpu.wait_dma2 semaphore(%run_scoped3A : memref<!tpu.dma_semaphore, #tpu.memory_space<semaphore_mem>>) src(%dma_wait3A_66 : memref<512xf32, #tpu.memory_space<vmem>>) dst(%dma_wait3A_64 : memref<512xf32, #tpu.memory_space<hbm>>)
      tpu.yield
    }) : () -> ()
    %mul3A_52 = arith.constant 6144 : i32
    %mul3A_53 = arith.muli %select_n3A, %mul3A_52 : i32
    %add3A_54 = arith.constant 4096 : i32
    %add3A_55 = arith.addi %mul3A_53, %add3A_54 : i32
    %add3A_56 = arith.addi %add3A_55, %mul3A_32 : i32
    "tpu.region"() ({
      %run_scoped3A = tpu.sem_alloc : memref<!tpu.dma_semaphore, #tpu.memory_space<semaphore_mem>>
      %dma_start3A = arith.constant 1024 : i32
      %dma_start3A_57 = tpu.memref_slice %arg7[%dma_start3A] : memref<1536xf32, #tpu.memory_space<vmem>> -> memref<512xf32, #tpu.memory_space<vmem>>
      %dma_start3A_58 = tpu.memref_slice %arg4[%add3A_56] : memref<49152xf32, #tpu.memory_space<hbm>> -> memref<512xf32, #tpu.memory_space<hbm>>
      %dma_start3A_59 = tpu.memref_slice %arg4[%add3A_56] : memref<49152xf32, #tpu.memory_space<hbm>> -> memref<512xf32, #tpu.memory_space<hbm>>
      %dma_start3A_60 = arith.constant 1024 : i32
      %dma_start3A_61 = tpu.memref_slice %arg7[%dma_start3A_60] : memref<1536xf32, #tpu.memory_space<vmem>> -> memref<512xf32, #tpu.memory_space<vmem>>
      tpu.enqueue_dma source(%dma_start3A_61 : memref<512xf32, #tpu.memory_space<vmem>>) target(%dma_start3A_59 : memref<512xf32, #tpu.memory_space<hbm>>) target_semaphore(%run_scoped3A : memref<!tpu.dma_semaphore, #tpu.memory_space<semaphore_mem>>)
      %dma_wait3A = arith.constant 1024 : i32
      %dma_wait3A_62 = tpu.memref_slice %arg7[%dma_wait3A] : memref<1536xf32, #tpu.memory_space<vmem>> -> memref<512xf32, #tpu.memory_space<vmem>>
      %dma_wait3A_63 = tpu.memref_slice %arg4[%add3A_56] : memref<49152xf32, #tpu.memory_space<hbm>> -> memref<512xf32, #tpu.memory_space<hbm>>
      %dma_wait3A_64 = tpu.memref_slice %arg4[%add3A_56] : memref<49152xf32, #tpu.memory_space<hbm>> -> memref<512xf32, #tpu.memory_space<hbm>>
      %dma_wait3A_65 = arith.constant 1024 : i32
      %dma_wait3A_66 = tpu.memref_slice %arg7[%dma_wait3A_65] : memref<1536xf32, #tpu.memory_space<vmem>> -> memref<512xf32, #tpu.memory_space<vmem>>
      tpu.wait_dma2 semaphore(%run_scoped3A : memref<!tpu.dma_semaphore, #tpu.memory_space<semaphore_mem>>) src(%dma_wait3A_66 : memref<512xf32, #tpu.memory_space<vmem>>) dst(%dma_wait3A_64 : memref<512xf32, #tpu.memory_space<hbm>>)
      tpu.yield
    }) : () -> ()
    return
  }
}

module attributes {stable_mosaic.version = 14 : i64} {
  func.func @_knn_body(%arg0: i32, %arg1: memref<1x2048x3xf32, #tpu.memory_space<vmem>>, %arg2: memref<1x4x2048xi32, #tpu.memory_space<vmem>>) attributes {dimension_semantics = [#tpu.dimension_semantics<arbitrary>], iteration_bounds = array<i64: 8>, scalar_prefetch = 0 : i64, scratch_operands = 0 : i64, tpu.core_type = #tpu.core_type<tc>, window_params = [{transform_indices = @transform_0, window_bounds = array<i64: 1, 2048, 3>}, {transform_indices = @transform_1, window_bounds = array<i64: 1, 4, 2048>}]} {
    %get3A = arith.constant 0 : index
    %get3A_0 = arith.constant 0 : index
    %get3A_1 = arith.constant 0 : index
    %get3A_2 = vector.load %arg1[%get3A, %get3A_0, %get3A_1] : memref<1x2048x3xf32, #tpu.memory_space<vmem>>, vector<1x2048x2xf32>
    %get3A_3 = vector.shape_cast %get3A_2 : vector<1x2048x2xf32> to vector<2048x2xf32>
    %convert_element_type3A = arith.truncf %get3A_3 : vector<2048x2xf32> to vector<2048x2xbf16>
    %dot_general3A = arith.constant dense<0.000000e+00> : vector<2048x2048xf32>
    %dot_general3A_4 = tpu.matmul %convert_element_type3A, %convert_element_type3A, %dot_general3A {dimension_numbers = #tpu.dot_dimension_numbers<[1], [1], [0], [0], [0, 0, 1, 0], [], []>, transpose_lhs_hint = false} : vector<2048x2xbf16>, vector<2048x2xbf16>, vector<2048x2048xf32> -> vector<2048x2048xf32>
    %get3A_5 = arith.constant 0 : index
    %get3A_6 = arith.constant 0 : index
    %get3A_7 = arith.constant 0 : index
    %get3A_8 = vector.load %arg1[%get3A_5, %get3A_6, %get3A_7] : memref<1x2048x3xf32, #tpu.memory_space<vmem>>, vector<1x2048x1xf32>
    %get3A_9 = vector.shape_cast %get3A_8 : vector<1x2048x1xf32> to vector<2048x1xf32>
    %get3A_10 = arith.constant 0 : index
    %get3A_11 = arith.constant 0 : index
    %get3A_12 = arith.constant 1 : index
    %get3A_13 = vector.load %arg1[%get3A_10, %get3A_11, %get3A_12] : memref<1x2048x3xf32, #tpu.memory_space<vmem>>, vector<1x2048x1xf32>
    %get3A_14 = vector.shape_cast %get3A_13 : vector<1x2048x1xf32> to vector<2048x1xf32>
    %mul3A = arith.mulf %get3A_9, %get3A_9 : vector<2048x1xf32>
    %mul3A_15 = arith.mulf %get3A_14, %get3A_14 : vector<2048x1xf32>
    %add3A = arith.addf %mul3A, %mul3A_15 : vector<2048x1xf32>
    %transpose3A = tpu.transpose %add3A, [1, 0] : vector<2048x1xf32> -> vector<1x2048xf32>
    %mul3A_16 = arith.constant 2.000000e+00 : f32
    %mul3A_17 = vector.broadcast %mul3A_16 : f32 to vector<2048x2048xf32>
    %mul3A_18 = arith.mulf %mul3A_17, %dot_general3A_4 : vector<2048x2048xf32>
    %sub3A = vector.broadcast %add3A : vector<2048x1xf32> to vector<2048x2048xf32>
    %sub3A_19 = arith.subf %sub3A, %mul3A_18 : vector<2048x2048xf32>
    %add3A_20 = vector.broadcast %transpose3A : vector<1x2048xf32> to vector<2048x2048xf32>
    %add3A_21 = arith.addf %sub3A_19, %add3A_20 : vector<2048x2048xf32>
    %iota3A = tpu.iota {dimensions = array<i32: 0>} : vector<2048x2048xi32>
    %convert_element_type3A_22 = arith.sitofp %iota3A : vector<2048x2048xi32> to vector<2048x2048xf32>
    %reduce_min3A = arith.constant dense<0x7F800000> : vector<2048xf32>
    %reduce_min3A_23 = vector.multi_reduction <minimumf>, %add3A_21, %reduce_min3A [0] : vector<2048x2048xf32> to vector<2048xf32>
    %broadcast_in_dim3A = vector.shape_cast %reduce_min3A_23 : vector<2048xf32> to vector<1x2048xf32>
    %eq3A = vector.broadcast %broadcast_in_dim3A : vector<1x2048xf32> to vector<2048x2048xf32>
    %eq3A_24 = arith.cmpf oeq, %add3A_21, %eq3A : vector<2048x2048xf32>
    %jit3A = arith.constant 2.048000e+03 : f32
    %broadcast_in_dim3A_25 = vector.broadcast %jit3A : f32 to vector<2048x2048xf32>
    %select_n3A = arith.select %eq3A_24, %convert_element_type3A_22, %broadcast_in_dim3A_25 : vector<2048x2048xi1>, vector<2048x2048xf32>
    %reduce_min3A_26 = arith.constant dense<0x7F800000> : vector<2048xf32>
    %reduce_min3A_27 = vector.multi_reduction <minimumf>, %select_n3A, %reduce_min3A_26 [0] : vector<2048x2048xf32> to vector<2048xf32>
    %broadcast_in_dim3A_28 = vector.shape_cast %reduce_min3A_27 : vector<2048xf32> to vector<1x2048xf32>
    %convert_element_type3A_29 = arith.fptosi %broadcast_in_dim3A_28 : vector<1x2048xf32> to vector<1x2048xi32>
    %swap3A = arith.constant 0 : index
    %swap3A_30 = arith.constant 0 : index
    %swap3A_31 = arith.constant 0 : index
    %swap3A_32 = vector.load %arg2[%swap3A, %swap3A_30, %swap3A_31] : memref<1x4x2048xi32, #tpu.memory_space<vmem>>, vector<1x1x2048xi32>
    %swap3A_33 = vector.shape_cast %swap3A_32 : vector<1x1x2048xi32> to vector<1x2048xi32>
    %swap3A_34 = vector.shape_cast %convert_element_type3A_29 : vector<1x2048xi32> to vector<1x1x2048xi32>
    tpu.vector_store %arg2[%swap3A, %swap3A_30, %swap3A_31], %swap3A_34 {strides = array<i32>} : memref<1x4x2048xi32, #tpu.memory_space<vmem>>, vector<1x1x2048xi32>,
    %eq3A_35 = vector.broadcast %broadcast_in_dim3A_28 : vector<1x2048xf32> to vector<2048x2048xf32>
    %eq3A_36 = arith.cmpf oeq, %convert_element_type3A_22, %eq3A_35 : vector<2048x2048xf32>
    %jit3A_37 = arith.constant 0x7F800000 : f32
    %broadcast_in_dim3A_38 = vector.broadcast %jit3A_37 : f32 to vector<2048x2048xf32>
    %select_n3A_39 = arith.select %eq3A_36, %broadcast_in_dim3A_38, %add3A_21 : vector<2048x2048xi1>, vector<2048x2048xf32>
    %reduce_min3A_40 = arith.constant dense<0x7F800000> : vector<2048xf32>
    %reduce_min3A_41 = vector.multi_reduction <minimumf>, %select_n3A_39, %reduce_min3A_40 [0] : vector<2048x2048xf32> to vector<2048xf32>
    %broadcast_in_dim3A_42 = vector.shape_cast %reduce_min3A_41 : vector<2048xf32> to vector<1x2048xf32>
    %eq3A_43 = vector.broadcast %broadcast_in_dim3A_42 : vector<1x2048xf32> to vector<2048x2048xf32>
    %eq3A_44 = arith.cmpf oeq, %select_n3A_39, %eq3A_43 : vector<2048x2048xf32>
    %jit3A_45 = arith.constant 2.048000e+03 : f32
    %broadcast_in_dim3A_46 = vector.broadcast %jit3A_45 : f32 to vector<2048x2048xf32>
    %select_n3A_47 = arith.select %eq3A_44, %convert_element_type3A_22, %broadcast_in_dim3A_46 : vector<2048x2048xi1>, vector<2048x2048xf32>
    %reduce_min3A_48 = arith.constant dense<0x7F800000> : vector<2048xf32>
    %reduce_min3A_49 = vector.multi_reduction <minimumf>, %select_n3A_47, %reduce_min3A_48 [0] : vector<2048x2048xf32> to vector<2048xf32>
    %broadcast_in_dim3A_50 = vector.shape_cast %reduce_min3A_49 : vector<2048xf32> to vector<1x2048xf32>
    %convert_element_type3A_51 = arith.fptosi %broadcast_in_dim3A_50 : vector<1x2048xf32> to vector<1x2048xi32>
    %swap3A_52 = arith.constant 0 : index
    %swap3A_53 = arith.constant 1 : index
    %swap3A_54 = arith.constant 0 : index
    %swap3A_55 = vector.load %arg2[%swap3A_52, %swap3A_53, %swap3A_54] : memref<1x4x2048xi32, #tpu.memory_space<vmem>>, vector<1x1x2048xi32>
    %swap3A_56 = vector.shape_cast %swap3A_55 : vector<1x1x2048xi32> to vector<1x2048xi32>
    %swap3A_57 = vector.shape_cast %convert_element_type3A_51 : vector<1x2048xi32> to vector<1x1x2048xi32>
    tpu.vector_store %arg2[%swap3A_52, %swap3A_53, %swap3A_54], %swap3A_57 {strides = array<i32>} : memref<1x4x2048xi32, #tpu.memory_space<vmem>>, vector<1x1x2048xi32>,
    %eq3A_58 = vector.broadcast %broadcast_in_dim3A_50 : vector<1x2048xf32> to vector<2048x2048xf32>
    %eq3A_59 = arith.cmpf oeq, %convert_element_type3A_22, %eq3A_58 : vector<2048x2048xf32>
    %jit3A_60 = arith.constant 0x7F800000 : f32
    %broadcast_in_dim3A_61 = vector.broadcast %jit3A_60 : f32 to vector<2048x2048xf32>
    %select_n3A_62 = arith.select %eq3A_59, %broadcast_in_dim3A_61, %select_n3A_39 : vector<2048x2048xi1>, vector<2048x2048xf32>
    %reduce_min3A_63 = arith.constant dense<0x7F800000> : vector<2048xf32>
    %reduce_min3A_64 = vector.multi_reduction <minimumf>, %select_n3A_62, %reduce_min3A_63 [0] : vector<2048x2048xf32> to vector<2048xf32>
    %broadcast_in_dim3A_65 = vector.shape_cast %reduce_min3A_64 : vector<2048xf32> to vector<1x2048xf32>
    %eq3A_66 = vector.broadcast %broadcast_in_dim3A_65 : vector<1x2048xf32> to vector<2048x2048xf32>
    %eq3A_67 = arith.cmpf oeq, %select_n3A_62, %eq3A_66 : vector<2048x2048xf32>
    %jit3A_68 = arith.constant 2.048000e+03 : f32
    %broadcast_in_dim3A_69 = vector.broadcast %jit3A_68 : f32 to vector<2048x2048xf32>
    %select_n3A_70 = arith.select %eq3A_67, %convert_element_type3A_22, %broadcast_in_dim3A_69 : vector<2048x2048xi1>, vector<2048x2048xf32>
    %reduce_min3A_71 = arith.constant dense<0x7F800000> : vector<2048xf32>
    %reduce_min3A_72 = vector.multi_reduction <minimumf>, %select_n3A_70, %reduce_min3A_71 [0] : vector<2048x2048xf32> to vector<2048xf32>
    %broadcast_in_dim3A_73 = vector.shape_cast %reduce_min3A_72 : vector<2048xf32> to vector<1x2048xf32>
    %convert_element_type3A_74 = arith.fptosi %broadcast_in_dim3A_73 : vector<1x2048xf32> to vector<1x2048xi32>
    %swap3A_75 = arith.constant 0 : index
    %swap3A_76 = arith.constant 2 : index
    %swap3A_77 = arith.constant 0 : index
    %swap3A_78 = vector.load %arg2[%swap3A_75, %swap3A_76, %swap3A_77] : memref<1x4x2048xi32, #tpu.memory_space<vmem>>, vector<1x1x2048xi32>
    %swap3A_79 = vector.shape_cast %swap3A_78 : vector<1x1x2048xi32> to vector<1x2048xi32>
    %swap3A_80 = vector.shape_cast %convert_element_type3A_74 : vector<1x2048xi32> to vector<1x1x2048xi32>
    tpu.vector_store %arg2[%swap3A_75, %swap3A_76, %swap3A_77], %swap3A_80 {strides = array<i32>} : memref<1x4x2048xi32, #tpu.memory_space<vmem>>, vector<1x1x2048xi32>,
    %eq3A_81 = vector.broadcast %broadcast_in_dim3A_73 : vector<1x2048xf32> to vector<2048x2048xf32>
    %eq3A_82 = arith.cmpf oeq, %convert_element_type3A_22, %eq3A_81 : vector<2048x2048xf32>
    %jit3A_83 = arith.constant 0x7F800000 : f32
    %broadcast_in_dim3A_84 = vector.broadcast %jit3A_83 : f32 to vector<2048x2048xf32>
    %select_n3A_85 = arith.select %eq3A_82, %broadcast_in_dim3A_84, %select_n3A_62 : vector<2048x2048xi1>, vector<2048x2048xf32>
    %reduce_min3A_86 = arith.constant dense<0x7F800000> : vector<2048xf32>
    %reduce_min3A_87 = vector.multi_reduction <minimumf>, %select_n3A_85, %reduce_min3A_86 [0] : vector<2048x2048xf32> to vector<2048xf32>
    %broadcast_in_dim3A_88 = vector.shape_cast %reduce_min3A_87 : vector<2048xf32> to vector<1x2048xf32>
    %eq3A_89 = vector.broadcast %broadcast_in_dim3A_88 : vector<1x2048xf32> to vector<2048x2048xf32>
    %eq3A_90 = arith.cmpf oeq, %select_n3A_85, %eq3A_89 : vector<2048x2048xf32>
    %jit3A_91 = arith.constant 2.048000e+03 : f32
    %broadcast_in_dim3A_92 = vector.broadcast %jit3A_91 : f32 to vector<2048x2048xf32>
    %select_n3A_93 = arith.select %eq3A_90, %convert_element_type3A_22, %broadcast_in_dim3A_92 : vector<2048x2048xi1>, vector<2048x2048xf32>
    %reduce_min3A_94 = arith.constant dense<0x7F800000> : vector<2048xf32>
    %reduce_min3A_95 = vector.multi_reduction <minimumf>, %select_n3A_93, %reduce_min3A_94 [0] : vector<2048x2048xf32> to vector<2048xf32>
    %broadcast_in_dim3A_96 = vector.shape_cast %reduce_min3A_95 : vector<2048xf32> to vector<1x2048xf32>
    %convert_element_type3A_97 = arith.fptosi %broadcast_in_dim3A_96 : vector<1x2048xf32> to vector<1x2048xi32>
    %swap3A_98 = arith.constant 0 : index
    %swap3A_99 = arith.constant 3 : index
    %swap3A_100 = arith.constant 0 : index
    %swap3A_101 = vector.load %arg2[%swap3A_98, %swap3A_99, %swap3A_100] : memref<1x4x2048xi32, #tpu.memory_space<vmem>>, vector<1x1x2048xi32>
    %swap3A_102 = vector.shape_cast %swap3A_101 : vector<1x1x2048xi32> to vector<1x2048xi32>
    %swap3A_103 = vector.shape_cast %convert_element_type3A_97 : vector<1x2048xi32> to vector<1x1x2048xi32>
    tpu.vector_store %arg2[%swap3A_98, %swap3A_99, %swap3A_100], %swap3A_103 {strides = array<i32>} : memref<1x4x2048xi32, #tpu.memory_space<vmem>>, vector<1x1x2048xi32>,
    return
  }
  func.func @transform_0(%arg0: i32) -> (i32, i32, i32) {
    %c0_i32 = arith.constant 0 : i32
    %c0_i32_0 = arith.constant 0 : i32
    %c0_i32_1 = arith.constant 0 : i32
    return %arg0, %c0_i32, %c0_i32_0 : i32, i32, i32
  }
  func.func @transform_1(%arg0: i32) -> (i32, i32, i32) {
    %c0_i32 = arith.constant 0 : i32
    %c0_i32_0 = arith.constant 0 : i32
    %c0_i32_1 = arith.constant 0 : i32
    return %arg0, %c0_i32, %c0_i32_0 : i32, i32, i32
  }
}

module attributes {stable_mosaic.version = 14 : i64} {
  func.func @_tail_body(%arg0: i32, %arg1: memref<8x3x512xf32, #tpu.memory_space<vmem>>, %arg2: memref<8x512x3xf32, #tpu.memory_space<vmem>>, %arg3: memref<3x3xf32, #tpu.memory_space<smem>>, %arg4: memref<3xf32, #tpu.memory_space<smem>>, %arg5: memref<1x512xf32, #tpu.memory_space<vmem>>, %arg6: memref<1x512xf32, #tpu.memory_space<vmem>>, %arg7: memref<8x512x3xf32, #tpu.memory_space<vmem>>) attributes {dimension_semantics = [#tpu.dimension_semantics<arbitrary>], iteration_bounds = array<i64: 4>, scalar_prefetch = 0 : i64, scratch_operands = 0 : i64, tpu.core_type = #tpu.core_type<tc>, window_params = [{transform_indices = @transform_0, window_bounds = array<i64: 8, 3, 512>}, {transform_indices = @transform_1, window_bounds = array<i64: 8, 512, 3>}, {transform_indices = @transform_2, window_bounds = array<i64: 3, 3>}, {transform_indices = @transform_3, window_bounds = array<i64: 3>}, {transform_indices = @transform_4, window_bounds = array<i64: 1, 512>}, {transform_indices = @transform_5, window_bounds = array<i64: 1, 512>}, {transform_indices = @transform_6, window_bounds = array<i64: 8, 512, 3>}]} {
    %get3A = arith.constant 0 : index
    %get3A_0 = arith.constant 0 : index
    %get3A_1 = arith.constant 0 : index
    %get3A_2 = vector.load %arg1[%get3A, %get3A_0, %get3A_1] : memref<8x3x512xf32, #tpu.memory_space<vmem>>, vector<8x1x512xf32>
    %get3A_3 = vector.shape_cast %get3A_2 : vector<8x1x512xf32> to vector<8x512xf32>
    %convert_element_type3A = arith.truncf %get3A_3 : vector<8x512xf32> to vector<8x512xbf16>
    %convert_element_type3A_4 = arith.extf %convert_element_type3A : vector<8x512xbf16> to vector<8x512xf32>
    %get3A_5 = arith.constant 0 : index
    %get3A_6 = arith.constant 1 : index
    %get3A_7 = arith.constant 0 : index
    %get3A_8 = vector.load %arg1[%get3A_5, %get3A_6, %get3A_7] : memref<8x3x512xf32, #tpu.memory_space<vmem>>, vector<8x1x512xf32>
    %get3A_9 = vector.shape_cast %get3A_8 : vector<8x1x512xf32> to vector<8x512xf32>
    %convert_element_type3A_10 = arith.truncf %get3A_9 : vector<8x512xf32> to vector<8x512xbf16>
    %convert_element_type3A_11 = arith.extf %convert_element_type3A_10 : vector<8x512xbf16> to vector<8x512xf32>
    %get3A_12 = arith.constant 0 : index
    %get3A_13 = arith.constant 2 : index
    %get3A_14 = arith.constant 0 : index
    %get3A_15 = vector.load %arg1[%get3A_12, %get3A_13, %get3A_14] : memref<8x3x512xf32, #tpu.memory_space<vmem>>, vector<8x1x512xf32>
    %get3A_16 = vector.shape_cast %get3A_15 : vector<8x1x512xf32> to vector<8x512xf32>
    %convert_element_type3A_17 = arith.truncf %get3A_16 : vector<8x512xf32> to vector<8x512xbf16>
    %convert_element_type3A_18 = arith.extf %convert_element_type3A_17 : vector<8x512xbf16> to vector<8x512xf32>
    %get3A_19 = arith.constant 0 : index
    %get3A_20 = arith.constant 0 : index
    %get3A_21 = memref.load %arg3[%get3A_19, %get3A_20] : memref<3x3xf32, #tpu.memory_space<smem>>
    %convert_element_type3A_22 = arith.truncf %get3A_21 : f32 to bf16
    %convert_element_type3A_23 = arith.extf %convert_element_type3A_22 : bf16 to f32
    %mul3A = vector.broadcast %convert_element_type3A_23 : f32 to vector<8x512xf32>
    %mul3A_24 = arith.mulf %convert_element_type3A_4, %mul3A : vector<8x512xf32>
    %get3A_25 = arith.constant 0 : index
    %get3A_26 = arith.constant 1 : index
    %get3A_27 = memref.load %arg3[%get3A_25, %get3A_26] : memref<3x3xf32, #tpu.memory_space<smem>>
    %convert_element_type3A_28 = arith.truncf %get3A_27 : f32 to bf16
    %convert_element_type3A_29 = arith.extf %convert_element_type3A_28 : bf16 to f32
    %mul3A_30 = vector.broadcast %convert_element_type3A_29 : f32 to vector<8x512xf32>
    %mul3A_31 = arith.mulf %convert_element_type3A_11, %mul3A_30 : vector<8x512xf32>
    %add3A = arith.addf %mul3A_24, %mul3A_31 : vector<8x512xf32>
    %get3A_32 = arith.constant 0 : index
    %get3A_33 = arith.constant 2 : index
    %get3A_34 = memref.load %arg3[%get3A_32, %get3A_33] : memref<3x3xf32, #tpu.memory_space<smem>>
    %convert_element_type3A_35 = arith.truncf %get3A_34 : f32 to bf16
    %convert_element_type3A_36 = arith.extf %convert_element_type3A_35 : bf16 to f32
    %mul3A_37 = vector.broadcast %convert_element_type3A_36 : f32 to vector<8x512xf32>
    %mul3A_38 = arith.mulf %convert_element_type3A_18, %mul3A_37 : vector<8x512xf32>
    %add3A_39 = arith.addf %add3A, %mul3A_38 : vector<8x512xf32>
    %get3A_40 = arith.constant 0 : index
    %get3A_41 = memref.load %arg4[%get3A_40] : memref<3xf32, #tpu.memory_space<smem>>
    %add3A_42 = vector.broadcast %get3A_41 : f32 to vector<8x512xf32>
    %add3A_43 = arith.addf %add3A_39, %add3A_42 : vector<8x512xf32>
    %reduce_sum3A = arith.constant dense<0.000000e+00> : vector<512xf32>
    %reduce_sum3A_44 = vector.multi_reduction <add>, %add3A_43, %reduce_sum3A [0] : vector<8x512xf32> to vector<512xf32>
    %broadcast_in_dim3A = vector.shape_cast %reduce_sum3A_44 : vector<512xf32> to vector<1x512xf32>
    %get3A_45 = arith.constant 1 : index
    %get3A_46 = arith.constant 0 : index
    %get3A_47 = memref.load %arg3[%get3A_45, %get3A_46] : memref<3x3xf32, #tpu.memory_space<smem>>
    %convert_element_type3A_48 = arith.truncf %get3A_47 : f32 to bf16
    %convert_element_type3A_49 = arith.extf %convert_element_type3A_48 : bf16 to f32
    %mul3A_50 = vector.broadcast %convert_element_type3A_49 : f32 to vector<8x512xf32>
    %mul3A_51 = arith.mulf %convert_element_type3A_4, %mul3A_50 : vector<8x512xf32>
    %get3A_52 = arith.constant 1 : index
    %get3A_53 = arith.constant 1 : index
    %get3A_54 = memref.load %arg3[%get3A_52, %get3A_53] : memref<3x3xf32, #tpu.memory_space<smem>>
    %convert_element_type3A_55 = arith.truncf %get3A_54 : f32 to bf16
    %convert_element_type3A_56 = arith.extf %convert_element_type3A_55 : bf16 to f32
    %mul3A_57 = vector.broadcast %convert_element_type3A_56 : f32 to vector<8x512xf32>
    %mul3A_58 = arith.mulf %convert_element_type3A_11, %mul3A_57 : vector<8x512xf32>
    %add3A_59 = arith.addf %mul3A_51, %mul3A_58 : vector<8x512xf32>
    %get3A_60 = arith.constant 1 : index
    %get3A_61 = arith.constant 2 : index
    %get3A_62 = memref.load %arg3[%get3A_60, %get3A_61] : memref<3x3xf32, #tpu.memory_space<smem>>
    %convert_element_type3A_63 = arith.truncf %get3A_62 : f32 to bf16
    %convert_element_type3A_64 = arith.extf %convert_element_type3A_63 : bf16 to f32
    %mul3A_65 = vector.broadcast %convert_element_type3A_64 : f32 to vector<8x512xf32>
    %mul3A_66 = arith.mulf %convert_element_type3A_18, %mul3A_65 : vector<8x512xf32>
    %add3A_67 = arith.addf %add3A_59, %mul3A_66 : vector<8x512xf32>
    %get3A_68 = arith.constant 1 : index
    %get3A_69 = memref.load %arg4[%get3A_68] : memref<3xf32, #tpu.memory_space<smem>>
    %add3A_70 = vector.broadcast %get3A_69 : f32 to vector<8x512xf32>
    %add3A_71 = arith.addf %add3A_67, %add3A_70 : vector<8x512xf32>
    %reduce_sum3A_72 = arith.constant dense<0.000000e+00> : vector<512xf32>
    %reduce_sum3A_73 = vector.multi_reduction <add>, %add3A_71, %reduce_sum3A_72 [0] : vector<8x512xf32> to vector<512xf32>
    %broadcast_in_dim3A_74 = vector.shape_cast %reduce_sum3A_73 : vector<512xf32> to vector<1x512xf32>
    %add3A_75 = arith.addf %broadcast_in_dim3A, %broadcast_in_dim3A_74 : vector<1x512xf32>
    %get3A_76 = arith.constant 2 : index
    %get3A_77 = arith.constant 0 : index
    %get3A_78 = memref.load %arg3[%get3A_76, %get3A_77] : memref<3x3xf32, #tpu.memory_space<smem>>
    %convert_element_type3A_79 = arith.truncf %get3A_78 : f32 to bf16
    %convert_element_type3A_80 = arith.extf %convert_element_type3A_79 : bf16 to f32
    %mul3A_81 = vector.broadcast %convert_element_type3A_80 : f32 to vector<8x512xf32>
    %mul3A_82 = arith.mulf %convert_element_type3A_4, %mul3A_81 : vector<8x512xf32>
    %get3A_83 = arith.constant 2 : index
    %get3A_84 = arith.constant 1 : index
    %get3A_85 = memref.load %arg3[%get3A_83, %get3A_84] : memref<3x3xf32, #tpu.memory_space<smem>>
    %convert_element_type3A_86 = arith.truncf %get3A_85 : f32 to bf16
    %convert_element_type3A_87 = arith.extf %convert_element_type3A_86 : bf16 to f32
    %mul3A_88 = vector.broadcast %convert_element_type3A_87 : f32 to vector<8x512xf32>
    %mul3A_89 = arith.mulf %convert_element_type3A_11, %mul3A_88 : vector<8x512xf32>
    %add3A_90 = arith.addf %mul3A_82, %mul3A_89 : vector<8x512xf32>
    %get3A_91 = arith.constant 2 : index
    %get3A_92 = arith.constant 2 : index
    %get3A_93 = memref.load %arg3[%get3A_91, %get3A_92] : memref<3x3xf32, #tpu.memory_space<smem>>
    %convert_element_type3A_94 = arith.truncf %get3A_93 : f32 to bf16
    %convert_element_type3A_95 = arith.extf %convert_element_type3A_94 : bf16 to f32
    %mul3A_96 = vector.broadcast %convert_element_type3A_95 : f32 to vector<8x512xf32>
    %mul3A_97 = arith.mulf %convert_element_type3A_18, %mul3A_96 : vector<8x512xf32>
    %add3A_98 = arith.addf %add3A_90, %mul3A_97 : vector<8x512xf32>
    %get3A_99 = arith.constant 2 : index
    %get3A_100 = memref.load %arg4[%get3A_99] : memref<3xf32, #tpu.memory_space<smem>>
    %add3A_101 = vector.broadcast %get3A_100 : f32 to vector<8x512xf32>
    %add3A_102 = arith.addf %add3A_98, %add3A_101 : vector<8x512xf32>
    %reduce_sum3A_103 = arith.constant dense<0.000000e+00> : vector<512xf32>
    %reduce_sum3A_104 = vector.multi_reduction <add>, %add3A_102, %reduce_sum3A_103 [0] : vector<8x512xf32> to vector<512xf32>
    %broadcast_in_dim3A_105 = vector.shape_cast %reduce_sum3A_104 : vector<512xf32> to vector<1x512xf32>
    %add3A_106 = arith.addf %add3A_75, %broadcast_in_dim3A_105 : vector<1x512xf32>
    %div3A = arith.constant 2.400000e+01 : f32
    %div3A_107 = vector.broadcast %div3A : f32 to vector<1x512xf32>
    %div3A_108 = arith.divf %add3A_106, %div3A_107 : vector<1x512xf32>
    %sub3A = vector.broadcast %div3A_108 : vector<1x512xf32> to vector<8x512xf32>
    %sub3A_109 = arith.subf %add3A_43, %sub3A : vector<8x512xf32>
    %mul3A_110 = arith.mulf %sub3A_109, %sub3A_109 : vector<8x512xf32>
    %reduce_sum3A_111 = arith.constant dense<0.000000e+00> : vector<512xf32>
    %reduce_sum3A_112 = vector.multi_reduction <add>, %mul3A_110, %reduce_sum3A_111 [0] : vector<8x512xf32> to vector<512xf32>
    %broadcast_in_dim3A_113 = vector.shape_cast %reduce_sum3A_112 : vector<512xf32> to vector<1x512xf32>
    %sub3A_114 = vector.broadcast %div3A_108 : vector<1x512xf32> to vector<8x512xf32>
    %sub3A_115 = arith.subf %add3A_71, %sub3A_114 : vector<8x512xf32>
    %mul3A_116 = arith.mulf %sub3A_115, %sub3A_115 : vector<8x512xf32>
    %reduce_sum3A_117 = arith.constant dense<0.000000e+00> : vector<512xf32>
    %reduce_sum3A_118 = vector.multi_reduction <add>, %mul3A_116, %reduce_sum3A_117 [0] : vector<8x512xf32> to vector<512xf32>
    %broadcast_in_dim3A_119 = vector.shape_cast %reduce_sum3A_118 : vector<512xf32> to vector<1x512xf32>
    %add3A_120 = arith.addf %broadcast_in_dim3A_113, %broadcast_in_dim3A_119 : vector<1x512xf32>
    %sub3A_121 = vector.broadcast %div3A_108 : vector<1x512xf32> to vector<8x512xf32>
    %sub3A_122 = arith.subf %add3A_102, %sub3A_121 : vector<8x512xf32>
    %mul3A_123 = arith.mulf %sub3A_122, %sub3A_122 : vector<8x512xf32>
    %reduce_sum3A_124 = arith.constant dense<0.000000e+00> : vector<512xf32>
    %reduce_sum3A_125 = vector.multi_reduction <add>, %mul3A_123, %reduce_sum3A_124 [0] : vector<8x512xf32> to vector<512xf32>
    %broadcast_in_dim3A_126 = vector.shape_cast %reduce_sum3A_125 : vector<512xf32> to vector<1x512xf32>
    %add3A_127 = arith.addf %add3A_120, %broadcast_in_dim3A_126 : vector<1x512xf32>
    %div3A_128 = arith.constant 2.400000e+01 : f32
    %div3A_129 = vector.broadcast %div3A_128 : f32 to vector<1x512xf32>
    %div3A_130 = arith.divf %add3A_127, %div3A_129 : vector<1x512xf32>
    %add3A_131 = arith.constant 9.99999974E-6 : f32
    %add3A_132 = vector.broadcast %add3A_131 : f32 to vector<1x512xf32>
    %add3A_133 = arith.addf %div3A_130, %add3A_132 : vector<1x512xf32>
    %sqrt3A = math.sqrt %add3A_133 : vector<1x512xf32>
    %sub3A_134 = vector.broadcast %div3A_108 : vector<1x512xf32> to vector<8x512xf32>
    %sub3A_135 = arith.subf %add3A_43, %sub3A_134 : vector<8x512xf32>
    %div3A_136 = vector.broadcast %sqrt3A : vector<1x512xf32> to vector<8x512xf32>
    %div3A_137 = arith.divf %sub3A_135, %div3A_136 : vector<8x512xf32>
    %get3A_138 = arith.constant 0 : index
    %get3A_139 = arith.constant 0 : index
    %get3A_140 = vector.load %arg5[%get3A_138, %get3A_139] : memref<1x512xf32, #tpu.memory_space<vmem>>, vector<1x512xf32>
    %mul3A_141 = vector.broadcast %get3A_140 : vector<1x512xf32> to vector<8x512xf32>
    %mul3A_142 = arith.mulf %div3A_137, %mul3A_141 : vector<8x512xf32>
    %get3A_143 = arith.constant 0 : index
    %get3A_144 = arith.constant 0 : index
    %get3A_145 = vector.load %arg6[%get3A_143, %get3A_144] : memref<1x512xf32, #tpu.memory_space<vmem>>, vector<1x512xf32>
    %add3A_146 = vector.broadcast %get3A_145 : vector<1x512xf32> to vector<8x512xf32>
    %add3A_147 = arith.addf %mul3A_142, %add3A_146 : vector<8x512xf32>
    %ge3A = arith.constant 0.000000e+00 : f32
    %ge3A_148 = vector.broadcast %ge3A : f32 to vector<8x512xf32>
    %ge3A_149 = arith.cmpf oge, %add3A_147, %ge3A_148 : vector<8x512xf32>
    %mul3A_150 = arith.constant 1.000000e-01 : f32
    %mul3A_151 = vector.broadcast %mul3A_150 : f32 to vector<8x512xf32>
    %mul3A_152 = arith.mulf %mul3A_151, %add3A_147 : vector<8x512xf32>
    %select_n3A = arith.select %ge3A_149, %add3A_147, %mul3A_152 : vector<8x512xi1>, vector<8x512xf32>
    %sub3A_153 = vector.broadcast %div3A_108 : vector<1x512xf32> to vector<8x512xf32>
    %sub3A_154 = arith.subf %add3A_71, %sub3A_153 : vector<8x512xf32>
    %div3A_155 = vector.broadcast %sqrt3A : vector<1x512xf32> to vector<8x512xf32>
    %div3A_156 = arith.divf %sub3A_154, %div3A_155 : vector<8x512xf32>
    %get3A_157 = arith.constant 0 : index
    %get3A_158 = arith.constant 0 : index
    %get3A_159 = vector.load %arg5[%get3A_157, %get3A_158] : memref<1x512xf32, #tpu.memory_space<vmem>>, vector<1x512xf32>
    %mul3A_160 = vector.broadcast %get3A_159 : vector<1x512xf32> to vector<8x512xf32>
    %mul3A_161 = arith.mulf %div3A_156, %mul3A_160 : vector<8x512xf32>
    %get3A_162 = arith.constant 0 : index
    %get3A_163 = arith.constant 0 : index
    %get3A_164 = vector.load %arg6[%get3A_162, %get3A_163] : memref<1x512xf32, #tpu.memory_space<vmem>>, vector<1x512xf32>
    %add3A_165 = vector.broadcast %get3A_164 : vector<1x512xf32> to vector<8x512xf32>
    %add3A_166 = arith.addf %mul3A_161, %add3A_165 : vector<8x512xf32>
    %ge3A_167 = arith.constant 0.000000e+00 : f32
    %ge3A_168 = vector.broadcast %ge3A_167 : f32 to vector<8x512xf32>
    %ge3A_169 = arith.cmpf oge, %add3A_166, %ge3A_168 : vector<8x512xf32>
    %mul3A_170 = arith.constant 1.000000e-01 : f32
    %mul3A_171 = vector.broadcast %mul3A_170 : f32 to vector<8x512xf32>
    %mul3A_172 = arith.mulf %mul3A_171, %add3A_166 : vector<8x512xf32>
    %select_n3A_173 = arith.select %ge3A_169, %add3A_166, %mul3A_172 : vector<8x512xi1>, vector<8x512xf32>
    %sub3A_174 = vector.broadcast %div3A_108 : vector<1x512xf32> to vector<8x512xf32>
    %sub3A_175 = arith.subf %add3A_102, %sub3A_174 : vector<8x512xf32>
    %div3A_176 = vector.broadcast %sqrt3A : vector<1x512xf32> to vector<8x512xf32>
    %div3A_177 = arith.divf %sub3A_175, %div3A_176 : vector<8x512xf32>
    %get3A_178 = arith.constant 0 : index
    %get3A_179 = arith.constant 0 : index
    %get3A_180 = vector.load %arg5[%get3A_178, %get3A_179] : memref<1x512xf32, #tpu.memory_space<vmem>>, vector<1x512xf32>
    %mul3A_181 = vector.broadcast %get3A_180 : vector<1x512xf32> to vector<8x512xf32>
    %mul3A_182 = arith.mulf %div3A_177, %mul3A_181 : vector<8x512xf32>
    %get3A_183 = arith.constant 0 : index
    %get3A_184 = arith.constant 0 : index
    %get3A_185 = vector.load %arg6[%get3A_183, %get3A_184] : memref<1x512xf32, #tpu.memory_space<vmem>>, vector<1x512xf32>
    %add3A_186 = vector.broadcast %get3A_185 : vector<1x512xf32> to vector<8x512xf32>
    %add3A_187 = arith.addf %mul3A_182, %add3A_186 : vector<8x512xf32>
    %ge3A_188 = arith.constant 0.000000e+00 : f32
    %ge3A_189 = vector.broadcast %ge3A_188 : f32 to vector<8x512xf32>
    %ge3A_190 = arith.cmpf oge, %add3A_187, %ge3A_189 : vector<8x512xf32>
    %mul3A_191 = arith.constant 1.000000e-01 : f32
    %mul3A_192 = vector.broadcast %mul3A_191 : f32 to vector<8x512xf32>
    %mul3A_193 = arith.mulf %mul3A_192, %add3A_187 : vector<8x512xf32>
    %select_n3A_194 = arith.select %ge3A_190, %add3A_187, %mul3A_193 : vector<8x512xi1>, vector<8x512xf32>
    %slice3A = vector.extract_strided_slice %select_n3A {offsets = [0, 0], sizes = [1, 512], strides = [1, 1]} : vector<8x512xf32> to vector<1x512xf32>
    %slice3A_195 = vector.extract_strided_slice %select_n3A_173 {offsets = [0, 0], sizes = [1, 512], strides = [1, 1]} : vector<8x512xf32> to vector<1x512xf32>
    %slice3A_196 = vector.extract_strided_slice %select_n3A_194 {offsets = [0, 0], sizes = [1, 512], strides = [1, 1]} : vector<8x512xf32> to vector<1x512xf32>
    %concatenate3A = tpu.concatenate %slice3A, %slice3A_195, %slice3A_196 in 0 : vector<1x512xf32>, vector<1x512xf32>, vector<1x512xf32> -> vector<3x512xf32>
    %get3A_197 = arith.constant 0 : index
    %get3A_198 = arith.constant 0 : index
    %get3A_199 = arith.constant 0 : index
    %get3A_200 = vector.load %arg2[%get3A_197, %get3A_198, %get3A_199] : memref<8x512x3xf32, #tpu.memory_space<vmem>>, vector<1x512x3xf32>
    %get3A_201 = vector.shape_cast %get3A_200 : vector<1x512x3xf32> to vector<512x3xf32>
    %transpose3A = tpu.transpose %concatenate3A, [1, 0] : vector<3x512xf32> -> vector<512x3xf32>
    %add3A_202 = arith.addf %get3A_201, %transpose3A : vector<512x3xf32>
    %swap3A = arith.constant 0 : index
    %swap3A_203 = arith.constant 0 : index
    %swap3A_204 = arith.constant 0 : index
    %swap3A_205 = vector.load %arg7[%swap3A, %swap3A_203, %swap3A_204] : memref<8x512x3xf32, #tpu.memory_space<vmem>>, vector<1x512x3xf32>
    %swap3A_206 = vector.shape_cast %swap3A_205 : vector<1x512x3xf32> to vector<512x3xf32>
    %swap3A_207 = vector.shape_cast %add3A_202 : vector<512x3xf32> to vector<1x512x3xf32>
    tpu.vector_store %arg7[%swap3A, %swap3A_203, %swap3A_204], %swap3A_207 {strides = array<i32>} : memref<8x512x3xf32, #tpu.memory_space<vmem>>, vector<1x512x3xf32>,
    %slice3A_208 = vector.extract_strided_slice %select_n3A {offsets = [1, 0], sizes = [1, 512], strides = [1, 1]} : vector<8x512xf32> to vector<1x512xf32>
    %slice3A_209 = vector.extract_strided_slice %select_n3A_173 {offsets = [1, 0], sizes = [1, 512], strides = [1, 1]} : vector<8x512xf32> to vector<1x512xf32>
    %slice3A_210 = vector.extract_strided_slice %select_n3A_194 {offsets = [1, 0], sizes = [1, 512], strides = [1, 1]} : vector<8x512xf32> to vector<1x512xf32>
    %concatenate3A_211 = tpu.concatenate %slice3A_208, %slice3A_209, %slice3A_210 in 0 : vector<1x512xf32>, vector<1x512xf32>, vector<1x512xf32> -> vector<3x512xf32>
    %get3A_212 = arith.constant 1 : index
    %get3A_213 = arith.constant 0 : index
    %get3A_214 = arith.constant 0 : index
    %get3A_215 = vector.load %arg2[%get3A_212, %get3A_213, %get3A_214] : memref<8x512x3xf32, #tpu.memory_space<vmem>>, vector<1x512x3xf32>
    %get3A_216 = vector.shape_cast %get3A_215 : vector<1x512x3xf32> to vector<512x3xf32>
    %transpose3A_217 = tpu.transpose %concatenate3A_211, [1, 0] : vector<3x512xf32> -> vector<512x3xf32>
    %add3A_218 = arith.addf %get3A_216, %transpose3A_217 : vector<512x3xf32>
    %swap3A_219 = arith.constant 1 : index
    %swap3A_220 = arith.constant 0 : index
    %swap3A_221 = arith.constant 0 : index
    %swap3A_222 = vector.load %arg7[%swap3A_219, %swap3A_220, %swap3A_221] : memref<8x512x3xf32, #tpu.memory_space<vmem>>, vector<1x512x3xf32>
    %swap3A_223 = vector.shape_cast %swap3A_222 : vector<1x512x3xf32> to vector<512x3xf32>
    %swap3A_224 = vector.shape_cast %add3A_218 : vector<512x3xf32> to vector<1x512x3xf32>
    tpu.vector_store %arg7[%swap3A_219, %swap3A_220, %swap3A_221], %swap3A_224 {strides = array<i32>} : memref<8x512x3xf32, #tpu.memory_space<vmem>>, vector<1x512x3xf32>,
    %slice3A_225 = vector.extract_strided_slice %select_n3A {offsets = [2, 0], sizes = [1, 512], strides = [1, 1]} : vector<8x512xf32> to vector<1x512xf32>
    %slice3A_226 = vector.extract_strided_slice %select_n3A_173 {offsets = [2, 0], sizes = [1, 512], strides = [1, 1]} : vector<8x512xf32> to vector<1x512xf32>
    %slice3A_227 = vector.extract_strided_slice %select_n3A_194 {offsets = [2, 0], sizes = [1, 512], strides = [1, 1]} : vector<8x512xf32> to vector<1x512xf32>
    %concatenate3A_228 = tpu.concatenate %slice3A_225, %slice3A_226, %slice3A_227 in 0 : vector<1x512xf32>, vector<1x512xf32>, vector<1x512xf32> -> vector<3x512xf32>
    %get3A_229 = arith.constant 2 : index
    %get3A_230 = arith.constant 0 : index
    %get3A_231 = arith.constant 0 : index
    %get3A_232 = vector.load %arg2[%get3A_229, %get3A_230, %get3A_231] : memref<8x512x3xf32, #tpu.memory_space<vmem>>, vector<1x512x3xf32>
    %get3A_233 = vector.shape_cast %get3A_232 : vector<1x512x3xf32> to vector<512x3xf32>
    %transpose3A_234 = tpu.transpose %concatenate3A_228, [1, 0] : vector<3x512xf32> -> vector<512x3xf32>
    %add3A_235 = arith.addf %get3A_233, %transpose3A_234 : vector<512x3xf32>
    %swap3A_236 = arith.constant 2 : index
    %swap3A_237 = arith.constant 0 : index
    %swap3A_238 = arith.constant 0 : index
    %swap3A_239 = vector.load %arg7[%swap3A_236, %swap3A_237, %swap3A_238] : memref<8x512x3xf32, #tpu.memory_space<vmem>>, vector<1x512x3xf32>
    %swap3A_240 = vector.shape_cast %swap3A_239 : vector<1x512x3xf32> to vector<512x3xf32>
    %swap3A_241 = vector.shape_cast %add3A_235 : vector<512x3xf32> to vector<1x512x3xf32>
    tpu.vector_store %arg7[%swap3A_236, %swap3A_237, %swap3A_238], %swap3A_241 {strides = array<i32>} : memref<8x512x3xf32, #tpu.memory_space<vmem>>, vector<1x512x3xf32>,
    %slice3A_242 = vector.extract_strided_slice %select_n3A {offsets = [3, 0], sizes = [1, 512], strides = [1, 1]} : vector<8x512xf32> to vector<1x512xf32>
    %slice3A_243 = vector.extract_strided_slice %select_n3A_173 {offsets = [3, 0], sizes = [1, 512], strides = [1, 1]} : vector<8x512xf32> to vector<1x512xf32>
    %slice3A_244 = vector.extract_strided_slice %select_n3A_194 {offsets = [3, 0], sizes = [1, 512], strides = [1, 1]} : vector<8x512xf32> to vector<1x512xf32>
    %concatenate3A_245 = tpu.concatenate %slice3A_242, %slice3A_243, %slice3A_244 in 0 : vector<1x512xf32>, vector<1x512xf32>, vector<1x512xf32> -> vector<3x512xf32>
    %get3A_246 = arith.constant 3 : index
    %get3A_247 = arith.constant 0 : index
    %get3A_248 = arith.constant 0 : index
    %get3A_249 = vector.load %arg2[%get3A_246, %get3A_247, %get3A_248] : memref<8x512x3xf32, #tpu.memory_space<vmem>>, vector<1x512x3xf32>
    %get3A_250 = vector.shape_cast %get3A_249 : vector<1x512x3xf32> to vector<512x3xf32>
    %transpose3A_251 = tpu.transpose %concatenate3A_245, [1, 0] : vector<3x512xf32> -> vector<512x3xf32>
    %add3A_252 = arith.addf %get3A_250, %transpose3A_251 : vector<512x3xf32>
    %swap3A_253 = arith.constant 3 : index
    %swap3A_254 = arith.constant 0 : index
    %swap3A_255 = arith.constant 0 : index
    %swap3A_256 = vector.load %arg7[%swap3A_253, %swap3A_254, %swap3A_255] : memref<8x512x3xf32, #tpu.memory_space<vmem>>, vector<1x512x3xf32>
    %swap3A_257 = vector.shape_cast %swap3A_256 : vector<1x512x3xf32> to vector<512x3xf32>
    %swap3A_258 = vector.shape_cast %add3A_252 : vector<512x3xf32> to vector<1x512x3xf32>
    tpu.vector_store %arg7[%swap3A_253, %swap3A_254, %swap3A_255], %swap3A_258 {strides = array<i32>} : memref<8x512x3xf32, #tpu.memory_space<vmem>>, vector<1x512x3xf32>,
    %slice3A_259 = vector.extract_strided_slice %select_n3A {offsets = [4, 0], sizes = [1, 512], strides = [1, 1]} : vector<8x512xf32> to vector<1x512xf32>
    %slice3A_260 = vector.extract_strided_slice %select_n3A_173 {offsets = [4, 0], sizes = [1, 512], strides = [1, 1]} : vector<8x512xf32> to vector<1x512xf32>
    %slice3A_261 = vector.extract_strided_slice %select_n3A_194 {offsets = [4, 0], sizes = [1, 512], strides = [1, 1]} : vector<8x512xf32> to vector<1x512xf32>
    %concatenate3A_262 = tpu.concatenate %slice3A_259, %slice3A_260, %slice3A_261 in 0 : vector<1x512xf32>, vector<1x512xf32>, vector<1x512xf32> -> vector<3x512xf32>
    %get3A_263 = arith.constant 4 : index
    %get3A_264 = arith.constant 0 : index
    %get3A_265 = arith.constant 0 : index
    %get3A_266 = vector.load %arg2[%get3A_263, %get3A_264, %get3A_265] : memref<8x512x3xf32, #tpu.memory_space<vmem>>, vector<1x512x3xf32>
    %get3A_267 = vector.shape_cast %get3A_266 : vector<1x512x3xf32> to vector<512x3xf32>
    %transpose3A_268 = tpu.transpose %concatenate3A_262, [1, 0] : vector<3x512xf32> -> vector<512x3xf32>
    %add3A_269 = arith.addf %get3A_267, %transpose3A_268 : vector<512x3xf32>
    %swap3A_270 = arith.constant 4 : index
    %swap3A_271 = arith.constant 0 : index
    %swap3A_272 = arith.constant 0 : index
    %swap3A_273 = vector.load %arg7[%swap3A_270, %swap3A_271, %swap3A_272] : memref<8x512x3xf32, #tpu.memory_space<vmem>>, vector<1x512x3xf32>
    %swap3A_274 = vector.shape_cast %swap3A_273 : vector<1x512x3xf32> to vector<512x3xf32>
    %swap3A_275 = vector.shape_cast %add3A_269 : vector<512x3xf32> to vector<1x512x3xf32>
    tpu.vector_store %arg7[%swap3A_270, %swap3A_271, %swap3A_272], %swap3A_275 {strides = array<i32>} : memref<8x512x3xf32, #tpu.memory_space<vmem>>, vector<1x512x3xf32>,
    %slice3A_276 = vector.extract_strided_slice %select_n3A {offsets = [5, 0], sizes = [1, 512], strides = [1, 1]} : vector<8x512xf32> to vector<1x512xf32>
    %slice3A_277 = vector.extract_strided_slice %select_n3A_173 {offsets = [5, 0], sizes = [1, 512], strides = [1, 1]} : vector<8x512xf32> to vector<1x512xf32>
    %slice3A_278 = vector.extract_strided_slice %select_n3A_194 {offsets = [5, 0], sizes = [1, 512], strides = [1, 1]} : vector<8x512xf32> to vector<1x512xf32>
    %concatenate3A_279 = tpu.concatenate %slice3A_276, %slice3A_277, %slice3A_278 in 0 : vector<1x512xf32>, vector<1x512xf32>, vector<1x512xf32> -> vector<3x512xf32>
    %get3A_280 = arith.constant 5 : index
    %get3A_281 = arith.constant 0 : index
    %get3A_282 = arith.constant 0 : index
    %get3A_283 = vector.load %arg2[%get3A_280, %get3A_281, %get3A_282] : memref<8x512x3xf32, #tpu.memory_space<vmem>>, vector<1x512x3xf32>
    %get3A_284 = vector.shape_cast %get3A_283 : vector<1x512x3xf32> to vector<512x3xf32>
    %transpose3A_285 = tpu.transpose %concatenate3A_279, [1, 0] : vector<3x512xf32> -> vector<512x3xf32>
    %add3A_286 = arith.addf %get3A_284, %transpose3A_285 : vector<512x3xf32>
    %swap3A_287 = arith.constant 5 : index
    %swap3A_288 = arith.constant 0 : index
    %swap3A_289 = arith.constant 0 : index
    %swap3A_290 = vector.load %arg7[%swap3A_287, %swap3A_288, %swap3A_289] : memref<8x512x3xf32, #tpu.memory_space<vmem>>, vector<1x512x3xf32>
    %swap3A_291 = vector.shape_cast %swap3A_290 : vector<1x512x3xf32> to vector<512x3xf32>
    %swap3A_292 = vector.shape_cast %add3A_286 : vector<512x3xf32> to vector<1x512x3xf32>
    tpu.vector_store %arg7[%swap3A_287, %swap3A_288, %swap3A_289], %swap3A_292 {strides = array<i32>} : memref<8x512x3xf32, #tpu.memory_space<vmem>>, vector<1x512x3xf32>,
    %slice3A_293 = vector.extract_strided_slice %select_n3A {offsets = [6, 0], sizes = [1, 512], strides = [1, 1]} : vector<8x512xf32> to vector<1x512xf32>
    %slice3A_294 = vector.extract_strided_slice %select_n3A_173 {offsets = [6, 0], sizes = [1, 512], strides = [1, 1]} : vector<8x512xf32> to vector<1x512xf32>
    %slice3A_295 = vector.extract_strided_slice %select_n3A_194 {offsets = [6, 0], sizes = [1, 512], strides = [1, 1]} : vector<8x512xf32> to vector<1x512xf32>
    %concatenate3A_296 = tpu.concatenate %slice3A_293, %slice3A_294, %slice3A_295 in 0 : vector<1x512xf32>, vector<1x512xf32>, vector<1x512xf32> -> vector<3x512xf32>
    %get3A_297 = arith.constant 6 : index
    %get3A_298 = arith.constant 0 : index
    %get3A_299 = arith.constant 0 : index
    %get3A_300 = vector.load %arg2[%get3A_297, %get3A_298, %get3A_299] : memref<8x512x3xf32, #tpu.memory_space<vmem>>, vector<1x512x3xf32>
    %get3A_301 = vector.shape_cast %get3A_300 : vector<1x512x3xf32> to vector<512x3xf32>
    %transpose3A_302 = tpu.transpose %concatenate3A_296, [1, 0] : vector<3x512xf32> -> vector<512x3xf32>
    %add3A_303 = arith.addf %get3A_301, %transpose3A_302 : vector<512x3xf32>
    %swap3A_304 = arith.constant 6 : index
    %swap3A_305 = arith.constant 0 : index
    %swap3A_306 = arith.constant 0 : index
    %swap3A_307 = vector.load %arg7[%swap3A_304, %swap3A_305, %swap3A_306] : memref<8x512x3xf32, #tpu.memory_space<vmem>>, vector<1x512x3xf32>
    %swap3A_308 = vector.shape_cast %swap3A_307 : vector<1x512x3xf32> to vector<512x3xf32>
    %swap3A_309 = vector.shape_cast %add3A_303 : vector<512x3xf32> to vector<1x512x3xf32>
    tpu.vector_store %arg7[%swap3A_304, %swap3A_305, %swap3A_306], %swap3A_309 {strides = array<i32>} : memref<8x512x3xf32, #tpu.memory_space<vmem>>, vector<1x512x3xf32>,
    %slice3A_310 = vector.extract_strided_slice %select_n3A {offsets = [7, 0], sizes = [1, 512], strides = [1, 1]} : vector<8x512xf32> to vector<1x512xf32>
    %slice3A_311 = vector.extract_strided_slice %select_n3A_173 {offsets = [7, 0], sizes = [1, 512], strides = [1, 1]} : vector<8x512xf32> to vector<1x512xf32>
    %slice3A_312 = vector.extract_strided_slice %select_n3A_194 {offsets = [7, 0], sizes = [1, 512], strides = [1, 1]} : vector<8x512xf32> to vector<1x512xf32>
    %concatenate3A_313 = tpu.concatenate %slice3A_310, %slice3A_311, %slice3A_312 in 0 : vector<1x512xf32>, vector<1x512xf32>, vector<1x512xf32> -> vector<3x512xf32>
    %get3A_314 = arith.constant 7 : index
    %get3A_315 = arith.constant 0 : index
    %get3A_316 = arith.constant 0 : index
    %get3A_317 = vector.load %arg2[%get3A_314, %get3A_315, %get3A_316] : memref<8x512x3xf32, #tpu.memory_space<vmem>>, vector<1x512x3xf32>
    %get3A_318 = vector.shape_cast %get3A_317 : vector<1x512x3xf32> to vector<512x3xf32>
    %transpose3A_319 = tpu.transpose %concatenate3A_313, [1, 0] : vector<3x512xf32> -> vector<512x3xf32>
    %add3A_320 = arith.addf %get3A_318, %transpose3A_319 : vector<512x3xf32>
    %swap3A_321 = arith.constant 7 : index
    %swap3A_322 = arith.constant 0 : index
    %swap3A_323 = arith.constant 0 : index
    %swap3A_324 = vector.load %arg7[%swap3A_321, %swap3A_322, %swap3A_323] : memref<8x512x3xf32, #tpu.memory_space<vmem>>, vector<1x512x3xf32>
    %swap3A_325 = vector.shape_cast %swap3A_324 : vector<1x512x3xf32> to vector<512x3xf32>
    %swap3A_326 = vector.shape_cast %add3A_320 : vector<512x3xf32> to vector<1x512x3xf32>
    tpu.vector_store %arg7[%swap3A_321, %swap3A_322, %swap3A_323], %swap3A_326 {strides = array<i32>} : memref<8x512x3xf32, #tpu.memory_space<vmem>>, vector<1x512x3xf32>,
    return
  }
  func.func @transform_0(%arg0: i32) -> (i32, i32, i32) {
    %c0_i32 = arith.constant 0 : i32
    %c0_i32_0 = arith.constant 0 : i32
    %c0_i32_1 = arith.constant 0 : i32
    return %c0_i32, %c0_i32_0, %arg0 : i32, i32, i32
  }
  func.func @transform_1(%arg0: i32) -> (i32, i32, i32) {
    %c0_i32 = arith.constant 0 : i32
    %c0_i32_0 = arith.constant 0 : i32
    %c0_i32_1 = arith.constant 0 : i32
    return %c0_i32, %arg0, %c0_i32_0 : i32, i32, i32
  }
  func.func @transform_2(%arg0: i32) -> (i32, i32) {
    %c0_i32 = arith.constant 0 : i32
    %c0_i32_0 = arith.constant 0 : i32
    %c0_i32_1 = arith.constant 0 : i32
    return %c0_i32, %c0_i32_0 : i32, i32
  }
  func.func @transform_3(%arg0: i32) -> i32 {
    %c0_i32 = arith.constant 0 : i32
    %c0_i32_0 = arith.constant 0 : i32
    return %c0_i32 : i32
  }
  func.func @transform_4(%arg0: i32) -> (i32, i32) {
    %c0_i32 = arith.constant 0 : i32
    %c0_i32_0 = arith.constant 0 : i32
    return %c0_i32, %arg0 : i32, i32
  }
  func.func @transform_5(%arg0: i32) -> (i32, i32) {
    %c0_i32 = arith.constant 0 : i32
    %c0_i32_0 = arith.constant 0 : i32
    return %c0_i32, %arg0 : i32, i32
  }
  func.func @transform_6(%arg0: i32) -> (i32, i32, i32) {
    %c0_i32 = arith.constant 0 : i32
    %c0_i32_0 = arith.constant 0 : i32
    %c0_i32_1 = arith.constant 0 : i32
    return %c0_i32, %arg0, %c0_i32_0 : i32, i32, i32
  }
}

</mosaic_0001>

<sc_bundles>
// kernel: kernel.5.cloned.1.call-start
scs
__scs_entry_jumppad:
0x0: {  	(pc) =	sbr.rel $0x88, $3  }
0x1: {  	(tag) =	ssettag $0x0;
	lr =	simm.s32 $0x1  }
0x2: {  	[smem:$0x3F9C] =	sst lr;
	_ =	strace $0xD0000000  }
0x3: {  	_ = 	snop  }
0x4: {  	_ = 	snop  }
0x5: {  	_ = 	snop  }
0x6: {  	_ = 	snop  }
0x7: {  	_ = 	snop  }
__scs_overlays_trampoline_lowered:
0x8: {  	[smem:$0x3FAB] =	sst s0  }
0x9: {  	[smem:$0x3FAC] =	sst s1  }
0xa: {  	[smem:$0x3FAD] =	sst s2  }
0xb: {  	[smem:$0x3FAE] =	sst s3  }
0xc: {  	[smem:$0x3FAF] =	sst s4  }
0xd: {  	[smem:$0x3FB0] =	sst s5  }
0xe: {  	[smem:$0x3FB1] =	sst s6  }
0xf: {  	[smem:$0x3FB2] =	sst s7  }
0x10: {  	[smem:$0x3FB3] =	sst s8  }
0x11: {  	[smem:$0x3FB4] =	sst s9;
	s0 =	simm.s32 @!p0 $0x0  }
0x12: {  	s1 =	sld [smem:$0x3F9A];
	s0 =	simm.s32 @p0 $0x1  }
0x13: {  	[smem:$0x3FB5] =	sst s0;
	s0 =	simm.s32 @!p1 $0x0  }
0x14: {  	s2 =	sld [smem:$0x3F99];
	s0 =	simm.s32 @p1 $0x1  }
0x15: {  	[smem:$0x3FB6] =	sst s0;
	s0 =	simm.s32 @!p2 $0x0  }
0x16: {  	s3 =	sld [smem:$0x3FDB];
	s0 =	simm.s32 @p2 $0x1  }
0x17: {  	s4 =	simm.s32 $0x1BF5;
	[smem:$0x3FB8] =	sst s0  }
0x18: {  	s0 =	sld [smem:$0x3F9B];
	_ =	swait.ge [sflag:s4], $0x0  }
0x19: {  	s7 =	sld [smem:$0x3F9C]  }
0x1a: {  	s8 =	sadd.s32 $0xFFFFE003, lr  }
0x1b: {  	s9 =	sadd.s32 $0xFFFFFEF7, lr;
	s5 =	simm.s32 $0xFFFFFFFF;
	p2 =	slt.u32 s8, $0xFFFFF086  }
0x1c: {  	p1 =	slt.u32 s9, $0xF7A;
	s5 =	simm.s32 @!p2 $0x0  }
0x1d: {  	s5 =	simm.s32 @p1 $0x1;
	p0 =	seq.s32 s7, s2  }
0x1e: {  	s7 =	smul.u32 @!p0 $0xF7A, s2;
	p2 =	seq.s32 @!p0 s5, $0x0  }
0x1f: {  	s9 =	smul.u32 $0xF7A, s1;
	s8 =	simm.s32 @!p0 $0x1BF5;
	p2 =	por !p2, p0  }
0x20: {  	[sflag:s8] =	ssyncset.s32 @!p0 $0xFFFFF086;
	s6 =	sadd.s32 @!p0 s3, s7;
	s7 =	simm.s32 @!p0 $0x108  }
0x21: {  	s3 =	sadd.s32 s3, s9;
	s6 =	sadd.s32 @!p0 $0x88, s6;
	s7 =	simm.s32 @p2 $0x1082  }
0x22: {  	[simem:s7], [sflag:s8] =	dma.local @!p0 [hbm:s6], $0xF7A  }
0x23: {  	s9 =	sor.u32 $0xD0000000, s2;
	s6 =	simm.s32 $0x108;
	_ =	swait.ge @!p0 [sflag:s8], $0x0  }
0x24: {  	s3 =	sadd.s32 $0x88, s3;
	s6 =	simm.s32 @!p1 $0x1082;
	[sflag:s4] =	ssyncset.s32 $0xFFFFF086  }
0x25: {  	[simem:s6], [sflag:s4] =	dma.local [hbm:s3], $0xF7A  }
0x26: {  	[smem:$0x3F9C] =	sst s1;
	(tag) =	ssettag s2;
	_ =	strace s9  }
0x27: {  	s1 =	sld [smem:$0x3FAC]  }
0x28: {  	s2 =	sld [smem:$0x3FAD]  }
0x29: {  	s4 =	sld [smem:$0x3FAF]  }
0x2a: {  	p0 =	seq.s32 s5, $0x0;
	s5 =	sld [smem:$0x3FB0]  }
0x2b: {  	s6 =	sld [smem:$0x3FB1]  }
0x2c: {  	s7 =	sld [smem:$0x3FB2]  }
0x2d: {  	s3 =	simm.s32 $0x108;
	s8 =	sld [smem:$0x3FB3]  }
0x2e: {  	s3 =	simm.s32 @!p0 $0x1082;
	s9 =	sld [smem:$0x3FB4]  }
0x2f: {  	lr =	sadd.s32 s0, s3;
	s0 =	sld [smem:$0x3FAB]  }
0x30: {  	s3 =	sld [smem:$0x3FAE]  }
0x31: {  	[smem:$0x3FB7] =	sst s10  }
0x32: {  	s10 =	sld [smem:$0x3FB5];
	_ =	sdelay $0x3  }
0x33: {  	p0 =	seq.s32 s10, $0x1;
	s10 =	sld [smem:$0x3FB7];
	_ =	sdelay $0x3  }
0x34: {  	[smem:$0x3FB7] =	sst s10  }
0x35: {  	s10 =	sld [smem:$0x3FB6];
	_ =	sdelay $0x3  }
0x36: {  	p1 =	seq.s32 s10, $0x1;
	s10 =	sld [smem:$0x3FB7];
	_ =	sdelay $0x3  }
0x37: {  	[smem:$0x3FB7] =	sst s10  }
0x38: {  	s10 =	sld [smem:$0x3FB8]  }
0x39: {  	_ = 	snop;
	(pc) =	sbr.ind lr, $3  }
0x3a: {  	_ = 	snop  }
0x3b: {  	_ = 	snop  }
0x3c: {  	p2 =	seq.s32 s10, $0x1;
	s10 =	sld [smem:$0x3FB7]  }
0x3d: {  	_ =	shalt  }
0x3e: {  	_ =	shalt  }
0x3f: {  	_ =	shalt  }
0x40: {  	_ =	shalt  }
0x41: {  	_ =	shalt  }
0x42: {  	_ =	shalt  }
0x43: {  	_ =	shalt  }
0x44: {  	_ =	shalt  }
0x45: {  	_ =	shalt  }
0x46: {  	_ =	shalt  }
0x47: {  	_ =	shalt  }
0x48: {  	_ =	shalt  }
0x49: {  	_ =	shalt  }
0x4a: {  	_ =	shalt  }
0x4b: {  	_ =	shalt  }
0x4c: {  	_ =	shalt  }
0x4d: {  	_ =	shalt  }
0x4e: {  	_ =	shalt  }
0x4f: {  	_ =	shalt  }
0x50: {  	_ =	shalt  }
0x51: {  	_ =	shalt  }
0x52: {  	_ =	shalt  }
0x53: {  	_ =	shalt  }
0x54: {  	_ =	shalt  }
0x55: {  	_ =	shalt  }
0x56: {  	_ =	shalt  }
0x57: {  	_ =	shalt  }
0x58: {  	_ =	shalt  }
0x59: {  	_ =	shalt  }
0x5a: {  	_ =	shalt  }
0x5b: {  	_ =	shalt  }
0x5c: {  	_ =	shalt  }
0x5d: {  	_ =	shalt  }
0x5e: {  	_ =	shalt  }
0x5f: {  	_ =	shalt  }
0x60: {  	_ =	shalt  }
0x61: {  	_ =	shalt  }
0x62: {  	_ =	shalt  }
0x63: {  	_ =	shalt  }
0x64: {  	_ =	shalt  }
0x65: {  	_ =	shalt  }
0x66: {  	_ =	shalt  }
0x67: {  	_ =	shalt  }
0x68: {  	_ =	shalt  }
0x69: {  	_ =	shalt  }
0x6a: {  	_ =	shalt  }
0x6b: {  	_ =	shalt  }
0x6c: {  	_ =	shalt  }
0x6d: {  	_ =	shalt  }
0x6e: {  	_ =	shalt  }
0x6f: {  	_ =	shalt  }
0x70: {  	_ =	shalt  }
0x71: {  	_ =	shalt  }
0x72: {  	_ =	shalt  }
0x73: {  	_ =	shalt  }
0x74: {  	_ =	shalt  }
0x75: {  	_ =	shalt  }
0x76: {  	_ =	shalt  }
0x77: {  	_ =	shalt  }
0x78: {  	_ =	shalt  }
0x79: {  	_ =	shalt  }
0x7a: {  	_ =	shalt  }
0x7b: {  	_ =	shalt  }
0x7c: {  	_ =	shalt  }
0x7d: {  	_ =	shalt  }
0x7e: {  	_ =	shalt  }
0x7f: {  	_ =	shalt  }
0x80: {  	_ =	shalt  }
0x81: {  	_ =	shalt  }
0x82: {  	_ =	shalt  }
0x83: {  	_ =	shalt  }
0x84: {  	_ =	shalt  }
0x85: {  	_ =	shalt  }
0x86: {  	_ =	shalt  }
0x87: {  	_ =	shalt  }
.Lfunc_end0:
.L_simem_size_0:
called_computation_lowered:
.L_overlay_start_0:
0x88: {  	s2 =	sld [smem:$0x3FD9]  }
0x89: {  	s3 =	sld [smem:$0x3FFE];
	_ =	sdelay $0x1  }
0x8a: {  	s1 =	srdreg.scid  }
0x8b: {  	s0 =	sand.u32 $0x1, s1  }
0x8c: {  	s17 =	sshll.u32 s0, $0xA;
	s2 =	sadd.s32 s3, s2  }
0x8d: {  	s2 =	sadd.s32 s2, s17  }
0x8e: {  	[smem:$0x3FC3] =	sst s2  }
0x8f: {  	_ = 	snop  }
0x90: {  	s2 =	sld [smem:$0x3FD0];
	(tm) =	ssettm $0x1  }
0x91: {  	s18 =	sld [smem:$0x3FFB];
	_ =	sdelay $0x3  }
0x92: {  	_ =	strace s18  }
0x93: {  	s3 =	sld [smem:$0x3FFC];
	_ =	sdelay $0x3  }
0x94: {  	_ =	strace s3  }
0x95: {  	s3 =	sld [smem:$0x3FFD];
	_ =	sdelay $0x3  }
0x96: {  	_ =	strace s3  }
0x97: {  	_ =	strace $0x8FFFFFFF  }
0x98: {  	s19 =	sld [smem:$0x3FDB];
	_ =	sdelay $0x1  }
0x99: {  	s4 =	simm.s32 $_scs_section_size  }
0x9a: {  	s5 =	simm.s32 $_size__tile_overlayer_lowered;
	s6 =	simm.s32 $_tile_overlayer_lowered  }
0x9b: {  	s22 =	simm.s32 $0x1BFF;
	s21 =	sshll.u32 s6, $0x1;
	s3 =	sadd.s32 s4, s19  }
0x9c: {  	s7 =	simm.s32 $0x0;
	s20 =	sshll.u32 s5, $0x1;
	s5 =	sadd.s32 s21, s3  }
0x9d: {  	[timem:s7], [sflag:s22] =	dma.local [hbm:s5], s20  }
0x9e: {  	_ =	swait.ge [sflag:s22], s20  }
0x9f: {  	s4 =	ssub.s32 $0x0, s20;
	[sflag:s22] =	ssyncset.done $0x0  }
0xa0: {  	[sflag:s22] =	ssyncadd.s32 s4;
	_ =	sdelay $0x1  }
0xa1: {  	s23 =	simm.s32 $0x1B8B  }
0xa2: {  	_ =	swait.ge [sflag:s23], $0x1  }
0xa3: {  	[sflag:s23] =	ssyncset.done $0x0  }
0xa4: {  	s25 =	simm.s32 $0x1B8E;
	s24 =	sld [smem:$0x3FFE];
	[sflag:s23] =	ssyncadd.s32 $0xFFFFFFFF  }
0xa5: {  	s26 =	simm.s32 $execute0_lowered;
	[smem:$0x3FD2] =	sst s25  }
0xa6: {  	s5 =	sshll.u32 s26, $0x1;
	_ =	strace $0x80000046;
	[dreg:$0x1] =	wrdreg $0xFFFFFFFF  }
0xa7: {  	s28 =	simm.s32 $_size_execute0_lowered;
	s3 =	sadd.s32 s3, s5;
	[dreg:$0x0] =	wrdreg $0x0  }
0xa8: {  	s5 =	sshll.u32 s28, $0x1;
	[dreg:$0x2] =	wrdreg s3  }
0xa9: {  	[dreg:$0x3] =	wrdreg s5  }
0xaa: {  	[dreg:$0x4] =	wrdreg $0xC0  }
0xab: {  	_ =	task [dreg:s7], $0x5FFFF  }
0xac: {  	[dreg:$0x1] =	wrdreg $0xFFFFFFFF  }
0xad: {  	[dreg:$0x0] =	wrdreg $0x60  }
0xae: {  	[dreg:$0x2] =	wrdreg s2  }
0xaf: {  	[dreg:$0x3] =	wrdreg s24  }
0xb0: {  	[dreg:$0x4] =	wrdreg $0x9  }
0xb1: {  	_ =	task.clear_ibuf [dreg:s7], $0x5FFFF;
	_ =	strace $0x90000046  }
0xb2: {  	s29 =	simm.s32 $0x9;
	_ =	strace $0x80000048  }
0xb3: {  	_ =	swait.ge [sflag:s29], $0x1  }
0xb4: {  	[sflag:s29] =	ssyncadd.s32 $0xFFFFFFFF  }
0xb5: {  	_ =	strace $0x90000048  }
0xb6: {  	_ =	sfence  }
0xb7: {  	s30 =	sld [smem:$0x0];
	_ =	sdelay $0x2  }
0xb8: {  	s31 =	sshll.u32 s1, $0xD;
	s1 =	sshrl.u32 s1, $0x2  }
0xb9: {  	s3 =	sand.u32 $0x4000, s31;
	s1 =	sadd.s32 s1, s30  }
0xba: {  	s0 =	sor.u32 s3, s0;
	s1 =	sshll.u32 s1, $0x11  }
0xbb: {  	s0 =	sor.u32 s1, s0  }
0xbc: {  	s0 =	sadd.s32 $0x8F2B, s0  }
0xbd: {  	[sflag:s0] =	ssyncadd.remote.s32 $0x1  }
0xbe: {  	_ =	sfence.sel $0xFFFF  }
0xbf: {  	[dreg:$0x0] =	wrdreg $0xFFFFFFFF;
	(pc) =	sbr.abs _section_cstart, $3  }
0xc0: {  	[dreg:$0x1] =	wrdreg $0xFFFFFFFF  }
0xc1: {  	_ =	task.clear_ibuf [dreg:s7], $0x2FFFF;
	_ =	strace $0x9FFFFFFF  }
0xc2: {  	(tm) =	ssettm $0x7FFFFFFF  }
0xc3: {  	_ =	shalt  }
tec
execute0_lowered:
.L_overlay_start_1:
0x0: {  	(tag) =	ssettag $0x1  }
0x1: {  	s3 =	rddreg [dreg:$0x0]  }
0x2: {  	s4 =	rddreg [dreg:$0x1]  }
0x3: {  	s0 =	rddreg [dreg:$0x2];
	s2 =	simm.s32 $0x0;
	s1 =	stileid.u32  }
0x4: {  	s7 =	srdreg.scid;
	s13 =	simm.s32 $0x3A00;
	s14 =	simm.s32 $0x3C00  }
0x5: {  	s15 =	simm.s32 $0x0;
	[smem:$0x7FF] =	sst s2;
	s5 =	sshrl.u32 s1, $0x1  }
0x6: {  	s8 =	sshll.u32 s1, $0x1;
	s7 =	sand.u32 $0x1, s7;
	s10 =	sadd.s32 $0x2C00, s4  }
0x7: {  	s31 =	sand.u32 $0x1, s1;
	_ =	strace $0x80000047;
	s6 =	sshll.u32 s5, $0xA  }
0x8: {  	s8 =	sand.u32 $0x2, s8;
	s9 =	ssub.s32 $0x2, s7;
	s5 =	smul.u32 $0x1800, s5  }
0x9: {  	s12 =	sshll.u32 s7, $0x9;
	s8 =	sor.u32 s7, s8;
	s28 =	sshrl.u32 s9, $0x1  }
0xa: {  	s6 =	sadd.s32 s6, s4;
	s8 =	sshll.u32 s8, $0x9;
	s9 =	ssub.s32 s9, s28  }
0xb: {  	s29 =	sshrl.u32 s5, $0x3;
	s4 =	sadd.s32 $0xC00, s6;
	s8 =	sor.u32 s5, s8  }
0xc: {  	s3 =	sadd.s32 s3, s29;
	s5 =	sshrl.u32 s8, $0x3;
	s11 =	sadd.s32 $0x800, s8  }
0xd: {  	s8 =	sadd.s32 $0x1000, s8;
	s5 =	sadd.s32 s10, s5;
	s30 =	sshrl.u32 s11, $0x3  }
0xe: {  	s8 =	sshrl.u32 s8, $0x3;
	s11 =	sshll.u32 s31, $0xA;
	s6 =	sadd.s32 s10, s30  }
0xf: {  	s7 =	sadd.s32 s10, s8;
	s8 =	smax.u32 s9, $0x1;
	s9 =	sor.u32 s12, s11  }
0x10: {  	v0 =	vlaneseq.u32;
	v1 =	vimm.s32 $0x0;
	s10 =	simm.s32 $0x1;
	s11 =	simm.s32 $0x1800;
	s12 =	simm.s32 $0x3800  }
.LBB2_1:
0x11: {  	s16 =	sadd.s32 $0x0, s9  }
0x12: {  	v4 =	vor.u32 s16, v0  }
0x13: {  	vm0 =	vgt.u32 v4, $0x2AA  }
0x14: {  	v2 =	vmul.u32 $0xC, v4;
	vm1 =	vgt.u32 v4, $0x555;
	v3 =	vsel vm0, $0x1, v1  }
0x15: {  	v3 =	vsel vm1, $0x2, v3  }
0x16: {  	v5 =	vadd.s32 $0x6, v2;
	v8 =	vshrl.u32 v2, $0x2;
	v10 =	vadd.s32 $0x9, v2  }
0x17: {  	v6 =	vshll.u32 v3, $0xD;
	vm0 =	vgt.s32 v5, $0x1FFF;
	v8 =	vand.u32 $0x7, v8  }
0x18: {  	v6 =	vsub.s32 v2, v6;
	v7 =	vsel vm0, $0x1, v1;
	vm0 =	vgt.s32 v5, $0x3FFF  }
0x19: {  	[tilespmem:s2], [sflag:$0x1] =	stream.linear.gather [hbm4b:s3+s2], $0x1800, $0x38;
	v6 =	vshrl.u32 v6, $0x2;
	v7 =	vsel vm0, $0x2, v7;
	vm0 =	vgt.s32 v10, $0x1FFF;
	[tilespmem:$0x3E00] =	vst v63  }
0x1a: {  	_ =	swait.ge [sflag:s10], $0x1800;
	v9 =	vand.u32 $0x3FFFFFF8, v6;
	v11 =	vadd.s32 $0x1800, v6;
	v12 =	vshll.u32 v7, $0xD  }
0x1b: {  	[sflag:s10] =	ssyncset.done $0x0;
	v5 =	vsub.s32 v5, v12;
	v12 =	vsel vm0, $0x1, v1;
	vm0 =	vgt.s32 v10, $0x3FFF  }
0x1c: {  	[sflag:s10] =	ssyncadd.s32 $0xFFFFE800;
	v11 =	vand.u32 $0x7FFFFFF8, v11;
	v8 =	vor.u32 v8, v9;
	v9 =	vsel vm0, $0x2, v12  }
0x1d: {  	[tilespmem:s11], [sflag:$0x1] =	stream.linear.gather [hbm4b:s4+s2], $0x2000, $0x38;
	v12 =	vand.u32 $0x7, v6;
	v5 =	vshrl.u32 v5, $0x2;
	v13 =	vshll.u32 v9, $0xD;
	[tilespmem:$0x3E00] =	vst v63  }
0x1e: {  	_ =	swait.ge [sflag:s10], $0x2000;
	v11 =	vor.u32 v12, v11;
	v10 =	vsub.s32 v10, v13;
	v13 =	vadd.s32 $0x1000, v5  }
0x1f: {  	[sflag:s10] =	ssyncset.done $0x0;
	v5 =	vand.u32 $0x7, v5;
	v10 =	vshrl.u32 v10, $0x2;
	v13 =	vand.u32 $0x7FFFFFF8, v13  }
0x20: {  	[sflag:s10] =	ssyncadd.s32 $0xFFFFE000;
	v14 =	vadd.s32 $0x800, v10;
	v5 =	vor.u32 v5, v13  }
0x21: {  	v8 =	vld.idx.msk [tilespmem:v8+s11+$0x0], $0xffff;
	v10 =	vand.u32 $0x7, v10;
	v13 =	vand.u32 $0x7FFFFFF8, v14  }
0x22: {  	v10 =	vor.u32 v10, v13  }
0x23: {  	v11 =	vld.idx.msk [tilespmem:v11+s11+$0x0], $0xffff;
	_ =	sdelay $0x1  }
0x24: {  	v5 =	vld.idx.msk [tilespmem:v5+s11+$0x0], $0xffff  }
0x25: {  	v8 =	vmul.u32 $0x3, v8  }
0x26: {  	v10 =	vld.idx.msk [tilespmem:v10+s11+$0x0], $0xffff  }
0x27: {  	v8 =	vadd.s32 v3, v8;
	v11 =	vmul.u32 $0x3, v11;
	_ =	sdelay $0x1  }
0x28: {  	v11 =	vadd.s32 v3, v11;
	v5 =	vmul.u32 $0x3, v5;
	_ =	sdelay $0x1  }
0x29: {  	v5 =	vadd.s32 v7, v5;
	v7 =	vmul.u32 $0x3, v10  }
0x2a: {  	v8 =	vld.idx.msk [tilespmem:v8+s2+$0x0], $0xffff  }
0x2b: {  	v7 =	vadd.s32 v9, v7  }
0x2c: {  	v13 =	vadd.s32 $0xA, v2;
	v9 =	vld.idx.msk [tilespmem:v11+s2+$0x0], $0xffff  }
0x2d: {  	v4 =	vmul.u32 $0x3, v4;
	vm1 =	vgt.s32 v13, $0x1FFF  }
0x2e: {  	v14 =	vadd.s32 $0x7, v2;
	v17 =	vsel vm1, $0x1, v1;
	v11 =	vadd.s32 $0x4, v2;
	v5 =	vld.idx.msk [tilespmem:v5+s2+$0x0], $0xffff  }
0x2f: {  	v10 =	vadd.s32 $0x800, v6;
	vm0 =	vgt.s32 v11, $0x1FFF;
	v8 =	vadd.f32 $0.0e+00, v8  }
0x30: {  	v10 =	vand.u32 $0x7FFFFFF8, v10;
	v15 =	vsel vm0, $0x1, v1;
	vm0 =	vgt.s32 v14, $0x1FFF;
	v7 =	vld.idx.msk [tilespmem:v7+s2+$0x0], $0xffff  }
0x31: {  	v16 =	vsel vm0, $0x1, v1;
	vm0 =	vgt.s32 v11, $0x3FFF;
	v8 =	vadd.f32 v9, v8  }
0x32: {  	vm1 =	vgt.s32 v13, $0x3FFF;
	v10 =	vor.u32 v12, v10;
	v15 =	vsel vm0, $0x2, v15  }
0x33: {  	vm0 =	vgt.s32 v14, $0x3FFF;
	v9 =	vshrl.u32 v11, $0x2;
	v5 =	vadd.f32 v5, v8  }
0x34: {  	v18 =	vld.idx.msk [tilespmem:v4+s2+$0x0], $0xffff;
	v16 =	vsel vm0, $0x2, v16;
	v8 =	vsel vm1, $0x2, v17;
	v17 =	vshll.u32 v15, $0xD  }
0x35: {  	v11 =	vsub.s32 v11, v17;
	v17 =	vshll.u32 v16, $0xD;
	v5 =	vadd.f32 v7, v5  }
0x36: {  	v7 =	vshrl.u32 v11, $0x2;
	v11 =	vsub.s32 v14, v17;
	v14 =	vor.u32 s2, v0  }
0x37: {  	v9 =	vand.u32 $0x7, v9;
	v7 =	vand.u32 $0x3FFFFFF8, v7;
	v5 =	vmul.f32 $2.500000000e-01, v5  }
0x38: {  	v17 =	vshll.u32 v8, $0xD;
	v7 =	vor.u32 v9, v7;
	v9 =	vshrl.u32 v11, $0x2  }
0x39: {  	v13 =	vsub.s32 v13, v17;
	v11 =	vadd.s32 $0x1800, v9;
	v5 =	vsub.f32 v18, v5  }
0x3a: {  	v13 =	vshrl.u32 v13, $0x2;
	v9 =	vand.u32 $0x7, v9;
	v11 =	vand.u32 $0x7FFFFFF8, v11  }
0x3b: {  	v9 =	vor.u32 v9, v11;
	v11 =	vadd.s32 $0x1000, v13;
	[tilespmem:v14+s12+$0x0] =	vst.idx.msk $0xffff, v5  }
0x3c: {  	v5 =	vand.u32 $0x7FFFFFF8, v11;
	v11 =	vand.u32 $0x7, v13;
	v10 =	vld.idx.msk [tilespmem:v10+s11+$0x0], $0xffff  }
0x3d: {  	v5 =	vor.u32 v11, v5  }
0x3e: {  	v7 =	vld.idx.msk [tilespmem:v7+s11+$0x0], $0xffff;
	_ =	sdelay $0x1  }
0x3f: {  	v9 =	vld.idx.msk [tilespmem:v9+s11+$0x0], $0xffff  }
0x40: {  	v10 =	vmul.u32 $0x3, v10  }
0x41: {  	v5 =	vld.idx.msk [tilespmem:v5+s11+$0x0], $0xffff  }
0x42: {  	v7 =	vmul.u32 $0x3, v7;
	v10 =	vadd.s32 v3, v10;
	_ =	sdelay $0x1  }
0x43: {  	v7 =	vadd.s32 v15, v7;
	v9 =	vmul.u32 $0x3, v9;
	_ =	sdelay $0x1  }
0x44: {  	v9 =	vadd.s32 v16, v9;
	v5 =	vmul.u32 $0x3, v5  }
0x45: {  	v6 =	vadd.s32 $0x1000, v6;
	v10 =	vld.idx.msk [tilespmem:v10+s2+$0x0], $0xffff  }
0x46: {  	v6 =	vand.u32 $0x7FFFFFF8, v6;
	v5 =	vadd.s32 v8, v5  }
0x47: {  	s30 =	simm.s32 $0x200;
	v6 =	vor.u32 v12, v6;
	v8 =	vadd.s32 $0x5, v2;
	v7 =	vld.idx.msk [tilespmem:v7+s2+$0x0], $0xffff  }
0x48: {  	v12 =	vor.u32 s30, v0;
	v14 =	vadd.s32 $0x1, v4;
	vm0 =	vgt.s32 v8, $0x1FFF  }
0x49: {  	v11 =	vadd.s32 $0x8, v2;
	vm1 =	vgt.s32 v8, $0x3FFF;
	v13 =	vsel vm0, $0x1, v1;
	v9 =	vld.idx.msk [tilespmem:v9+s2+$0x0], $0xffff  }
0x4a: {  	vm0 =	vgt.s32 v11, $0x1FFF;
	v13 =	vsel vm1, $0x2, v13;
	v10 =	vadd.f32 $0.0e+00, v10  }
0x4b: {  	v2 =	vadd.s32 $0xB, v2;
	v15 =	vsel vm0, $0x1, v1;
	v17 =	vshll.u32 v13, $0xD;
	v5 =	vld.idx.msk [tilespmem:v5+s2+$0x0], $0xffff  }
0x4c: {  	vm0 =	vgt.s32 v2, $0x1FFF;
	v8 =	vsub.s32 v8, v17;
	v7 =	vadd.f32 v7, v10  }
0x4d: {  	v16 =	vsel vm0, $0x1, v1;
	vm0 =	vgt.s32 v11, $0x3FFF;
	v8 =	vshrl.u32 v8, $0x2  }
0x4e: {  	v10 =	vsel vm0, $0x2, v15;
	v15 =	vshrl.u32 v11, $0x2;
	v7 =	vadd.f32 v9, v7  }
0x4f: {  	v14 =	vld.idx.msk [tilespmem:v14+s2+$0x0], $0xffff;
	v17 =	vadd.s32 $0x800, v8;
	v8 =	vand.u32 $0x7, v8;
	vm0 =	vgt.s32 v2, $0x3FFF  }
0x50: {  	v9 =	vshll.u32 v10, $0xD;
	v5 =	vadd.f32 v5, v7;
	v7 =	vsel vm0, $0x2, v16  }
0x51: {  	v9 =	vsub.s32 v11, v9;
	v16 =	vand.u32 $0x7FFFFFF8, v17;
	v17 =	vshll.u32 v7, $0xD  }
0x52: {  	v11 =	vand.u32 $0x7, v15;
	v5 =	vmul.f32 $2.500000000e-01, v5;
	v2 =	vsub.s32 v2, v17  }
0x53: {  	v9 =	vshrl.u32 v9, $0x2;
	v8 =	vor.u32 v8, v16;
	v2 =	vshrl.u32 v2, $0x2  }
0x54: {  	v9 =	vand.u32 $0x3FFFFFF8, v9;
	v5 =	vsub.f32 v14, v5;
	v14 =	vadd.s32 $0x1800, v2  }
0x55: {  	v9 =	vor.u32 v11, v9;
	v2 =	vand.u32 $0x7, v2;
	v11 =	vand.u32 $0x7FFFFFF8, v14  }
0x56: {  	[tilespmem:v12+s12+$0x0] =	vst.idx.msk $0xffff, v5;
	v2 =	vor.u32 v2, v11  }
0x57: {  	v11 =	vld.idx.msk [tilespmem:v6+s11+$0x0], $0xffff  }
0x58: {  	s31 =	sadd.s32 $0x10, s9;
	v8 =	vld.idx.msk [tilespmem:v8+s11+$0x0], $0xffff  }
0x59: {  	v6 =	vor.u32 s31, v0  }
0x5a: {  	v9 =	vld.idx.msk [tilespmem:v9+s11+$0x0], $0xffff;
	v5 =	vmul.u32 $0xC, v6  }
0x5b: {  	v4 =	vadd.s32 $0x2, v4;
	vm0 =	vgt.u32 v6, $0x2AA;
	vm1 =	vgt.u32 v6, $0x555;
	v12 =	vld.idx.msk [tilespmem:v2+s11+$0x0], $0xffff  }
0x5c: {  	v14 =	vadd.s32 $0x6, v5;
	v2 =	vsel vm0, $0x1, v1;
	v11 =	vmul.u32 $0x3, v11  }
0x5d: {  	vm0 =	vgt.s32 v14, $0x1FFF;
	v8 =	vmul.u32 $0x3, v8;
	v2 =	vsel vm1, $0x2, v2  }
0x5e: {  	v15 =	vsel vm0, $0x1, v1;
	v3 =	vadd.s32 v3, v11;
	v11 =	vshll.u32 v2, $0xD  }
0x5f: {  	v17 =	vadd.s32 v13, v8;
	v8 =	vsub.s32 v5, v11;
	v11 =	vmul.u32 $0x3, v9  }
0x60: {  	vm0 =	vgt.s32 v14, $0x3FFF;
	v13 =	vshrl.u32 v5, $0x2;
	v12 =	vmul.u32 $0x3, v12  }
0x61: {  	v13 =	vand.u32 $0x7, v13;
	v8 =	vshrl.u32 v8, $0x2;
	v16 =	vadd.s32 v10, v11  }
0x62: {  	v9 =	vand.u32 $0x3FFFFFF8, v8;
	v11 =	vld.idx.msk [tilespmem:v4+s2+$0x0], $0xffff;
	v10 =	vsel vm0, $0x2, v15;
	v18 =	vadd.s32 v7, v12  }
0x63: {  	v7 =	vadd.s32 $0x1800, v8;
	v12 =	vadd.s32 $0x9, v5;
	v15 =	vld.idx.msk [tilespmem:v3+s2+$0x0], $0xffff;
	v3 =	vshll.u32 v10, $0xD  }
0x64: {  	s18 =	simm.s32 $0x20;
	s17 =	simm.s32 $0x0;
	s16 =	simm.s32 $0x10;
	v17 =	vld.idx.msk [tilespmem:v17+s2+$0x0], $0xffff;
	vm0 =	vgt.s32 v12, $0x1FFF;
	v14 =	vsub.s32 v14, v3;
	v3 =	vadd.s32 $0x1000, v8  }
.LBB2_2:
0x65: {  	p0 =	sne.s32 s18, $0x1F0;
	v19 =	vsel vm0, $0x1, v1;
	v4 =	vadd.s32 $0xB, v5;
	s19 =	smov.u32 s18;
	s18 =	sadd.s32 $0x10, s18  }
0x66: {  	v20 =	vand.u32 $0x7FFFFFF8, v7;
	vm0 =	vgt.s32 v12, $0x3FFF;
	v7 =	vadd.s32 $0x8, v5;
	v16 =	vld.idx.msk [tilespmem:v16+s2+$0x0], $0xffff  }
0x67: {  	v21 =	vor.u32 v13, v9;
	v9 =	vadd.s32 $0x5, v5;
	v19 =	vsel vm0, $0x2, v19;
	v13 =	vld.idx.msk [tilespmem:v18+s2+$0x0], $0xffff  }
0x68: {  	v22 =	vadd.s32 $0x4, v5;
	v18 =	vadd.s32 $0x800, v8;
	v15 =	vadd.f32 $0.0e+00, v15  }
0x69: {  	v24 =	vadd.s32 $0xA, v5;
	v8 =	vand.u32 $0x7, v8;
	v23 =	vshll.u32 v19, $0xD  }
0x6a: {  	v20 =	vor.u32 v8, v20;
	v12 =	vsub.s32 v12, v23;
	v15 =	vadd.f32 v17, v15  }
0x6b: {  	vm0 =	vgt.s32 v22, $0x1FFF;
	v23 =	vadd.s32 $0x7, v5;
	v17 =	vshrl.u32 v12, $0x2  }
0x6c: {  	v5 =	vand.u32 $0x7FFFFFF8, v18;
	v18 =	vsel vm0, $0x1, v1;
	v12 =	vadd.f32 v16, v15  }
0x6d: {  	vm0 =	vgt.s32 v23, $0x1FFF;
	v15 =	vadd.s32 $0x800, v17;
	v16 =	vor.u32 v8, v5  }
0x6e: {  	s20 =	sadd.s32 $0x400, s17;
	s17 =	smov.u32 s16;
	s16 =	smov.u32 s19;
	v25 =	vsel vm0, $0x1, v1;
	vm0 =	vgt.s32 v24, $0x1FFF;
	v5 =	vadd.f32 v13, v12  }
0x6f: {  	v27 =	vor.u32 s20, v0;
	v26 =	vsel vm0, $0x1, v1;
	vm0 =	vgt.s32 v9, $0x1FFF  }
0x70: {  	v13 =	vsel vm0, $0x1, v1;
	vm0 =	vgt.s32 v7, $0x1FFF;
	v28 =	vmul.f32 $2.500000000e-01, v5  }
0x71: {  	v12 =	vsel vm0, $0x1, v1;
	vm0 =	vgt.s32 v4, $0x1FFF  }
0x72: {  	v14 =	vshrl.u32 v14, $0x2;
	v5 =	vsel vm0, $0x1, v1;
	v11 =	vsub.f32 v11, v28  }
0x73: {  	v28 =	vadd.s32 $0x1000, v14  }
0x74: {  	v14 =	vand.u32 $0x7, v14;
	v28 =	vand.u32 $0x7FFFFFF8, v28;
	[tilespmem:v27+s12+$0x0] =	vst.idx.msk $0xffff, v11  }
0x75: {  	v14 =	vor.u32 v14, v28;
	v11 =	vld.idx.msk [tilespmem:v21+s11+$0x0], $0xffff  }
0x76: {  	v17 =	vand.u32 $0x7, v17;
	v15 =	vand.u32 $0x7FFFFFF8, v15  }
0x77: {  	v15 =	vor.u32 v17, v15  }
0x78: {  	v17 =	vld.idx.msk [tilespmem:v20+s11+$0x0], $0xffff;
	_ =	sdelay $0x1  }
0x79: {  	v14 =	vld.idx.msk [tilespmem:v14+s11+$0x0], $0xffff  }
0x7a: {  	v11 =	vmul.u32 $0x3, v11  }
0x7b: {  	v15 =	vld.idx.msk [tilespmem:v15+s11+$0x0], $0xffff  }
0x7c: {  	v11 =	vadd.s32 v2, v11  }
0x7d: {  	v17 =	vmul.u32 $0x3, v17  }
0x7e: {  	v6 =	vmul.u32 $0x3, v6  }
0x7f: {  	v17 =	vadd.s32 v2, v17;
	v14 =	vmul.u32 $0x3, v14;
	_ =	sdelay $0x1  }
0x80: {  	v10 =	vadd.s32 v10, v14;
	v14 =	vmul.u32 $0x3, v15  }
0x81: {  	v11 =	vld.idx.msk [tilespmem:v11+s2+$0x0], $0xffff  }
0x82: {  	v15 =	vshrl.u32 v22, $0x2;
	v14 =	vadd.s32 v19, v14  }
0x83: {  	vm1 =	vgt.s32 v24, $0x3FFF;
	vm0 =	vgt.s32 v22, $0x3FFF;
	v17 =	vld.idx.msk [tilespmem:v17+s2+$0x0], $0xffff  }
0x84: {  	v18 =	vsel vm0, $0x2, v18;
	vm0 =	vgt.s32 v23, $0x3FFF;
	v19 =	vsel vm1, $0x2, v26  }
0x85: {  	v21 =	vsel vm0, $0x2, v25;
	v20 =	vshll.u32 v18, $0xD;
	v10 =	vld.idx.msk [tilespmem:v10+s2+$0x0], $0xffff  }
0x86: {  	v20 =	vsub.s32 v22, v20;
	v22 =	vshll.u32 v21, $0xD  }
0x87: {  	v20 =	vshrl.u32 v20, $0x2;
	v22 =	vsub.s32 v23, v22;
	v11 =	vadd.f32 $0.0e+00, v11;
	v14 =	vld.idx.msk [tilespmem:v14+s2+$0x0], $0xffff  }
0x88: {  	v20 =	vand.u32 $0x3FFFFFF8, v20;
	v15 =	vand.u32 $0x7, v15;
	v23 =	vshll.u32 v19, $0xD  }
0x89: {  	v15 =	vor.u32 v15, v20;
	v11 =	vadd.f32 v17, v11;
	v17 =	vshrl.u32 v22, $0x2  }
0x8a: {  	v22 =	vsub.s32 v24, v23;
	v20 =	vadd.s32 $0x1800, v17;
	v17 =	vand.u32 $0x7, v17  }
0x8b: {  	v22 =	vshrl.u32 v22, $0x2;
	v10 =	vadd.f32 v10, v11;
	v20 =	vand.u32 $0x7FFFFFF8, v20;
	v11 =	vld.idx.msk [tilespmem:v6+s2+$0x0], $0xffff  }
0x8c: {  	v17 =	vor.u32 v17, v20;
	v20 =	vadd.s32 $0x1000, v22  }
0x8d: {  	v10 =	vadd.f32 v14, v10;
	v14 =	vand.u32 $0x7FFFFFF8, v20;
	v20 =	vand.u32 $0x7, v22  }
0x8e: {  	v22 =	vor.u32 s17, v0;
	v14 =	vor.u32 v20, v14  }
0x8f: {  	v10 =	vmul.f32 $2.500000000e-01, v10;
	_ =	sdelay $0x1  }
0x90: {  	v10 =	vsub.f32 v11, v10;
	_ =	sdelay $0x1  }
0x91: {  	[tilespmem:v22+s12+$0x0] =	vst.idx.msk $0xffff, v10  }
0x92: {  	v10 =	vld.idx.msk [tilespmem:v16+s11+$0x0], $0xffff;
	_ =	sdelay $0x1  }
0x93: {  	v11 =	vld.idx.msk [tilespmem:v15+s11+$0x0], $0xffff;
	_ =	sdelay $0x1  }
0x94: {  	v15 =	vld.idx.msk [tilespmem:v17+s11+$0x0], $0xffff;
	_ =	sdelay $0x1  }
0x95: {  	v10 =	vmul.u32 $0x3, v10;
	v14 =	vld.idx.msk [tilespmem:v14+s11+$0x0], $0xffff;
	_ =	sdelay $0x1  }
0x96: {  	v10 =	vadd.s32 v2, v10;
	v11 =	vmul.u32 $0x3, v11;
	_ =	sdelay $0x1  }
0x97: {  	v16 =	vadd.s32 $0x1, v6;
	v11 =	vadd.s32 v18, v11;
	v15 =	vmul.u32 $0x3, v15;
	_ =	sdelay $0x1  }
0x98: {  	v15 =	vadd.s32 v21, v15;
	v14 =	vmul.u32 $0x3, v14  }
0x99: {  	v10 =	vld.idx.msk [tilespmem:v10+s2+$0x0], $0xffff  }
0x9a: {  	vm0 =	vgt.s32 v9, $0x3FFF;
	v14 =	vadd.s32 v19, v14  }
0x9b: {  	v13 =	vsel vm0, $0x2, v13;
	v11 =	vld.idx.msk [tilespmem:v11+s2+$0x0], $0xffff  }
0x9c: {  	vm0 =	vgt.s32 v7, $0x3FFF;
	v17 =	vshll.u32 v13, $0xD  }
0x9d: {  	v3 =	vand.u32 $0x7FFFFFF8, v3;
	v12 =	vsel vm0, $0x2, v12;
	v9 =	vsub.s32 v9, v17;
	v15 =	vld.idx.msk [tilespmem:v15+s2+$0x0], $0xffff  }
0x9e: {  	v17 =	vshll.u32 v12, $0xD;
	v9 =	vshrl.u32 v9, $0x2;
	v18 =	vshrl.u32 v7, $0x2  }
0x9f: {  	v19 =	vadd.s32 $0x800, v9;
	v9 =	vand.u32 $0x7, v9;
	v10 =	vadd.f32 $0.0e+00, v10;
	v14 =	vld.idx.msk [tilespmem:v14+s2+$0x0], $0xffff  }
0xa0: {  	v3 =	vor.u32 v8, v3;
	v7 =	vsub.s32 v7, v17;
	v8 =	vand.u32 $0x7FFFFFF8, v19  }
0xa1: {  	v7 =	vshrl.u32 v7, $0x2;
	v8 =	vor.u32 v9, v8;
	v10 =	vadd.f32 v11, v10  }
0xa2: {  	v7 =	vand.u32 $0x3FFFFFF8, v7;
	v9 =	vand.u32 $0x7, v18  }
0xa3: {  	vm0 =	vgt.s32 v4, $0x3FFF;
	v7 =	vor.u32 v9, v7;
	v10 =	vadd.f32 v15, v10;
	v11 =	vld.idx.msk [tilespmem:v16+s2+$0x0], $0xffff  }
0xa4: {  	v17 =	vsel vm0, $0x2, v5;
	v5 =	vadd.s32 $0x2, v6  }
0xa5: {  	s19 =	sadd.s32 $0x200, s17;
	v9 =	vshll.u32 v17, $0xD;
	v6 =	vadd.f32 v14, v10  }
0xa6: {  	v4 =	vsub.s32 v4, v9;
	v10 =	vor.u32 s19, v0  }
0xa7: {  	v4 =	vshrl.u32 v4, $0x2;
	v6 =	vmul.f32 $2.500000000e-01, v6  }
0xa8: {  	v9 =	vadd.s32 $0x1800, v4  }
0xa9: {  	v4 =	vand.u32 $0x7, v4;
	v9 =	vand.u32 $0x7FFFFFF8, v9;
	v6 =	vsub.f32 v11, v6  }
0xaa: {  	v4 =	vor.u32 v4, v9  }
0xab: {  	[tilespmem:v10+s12+$0x0] =	vst.idx.msk $0xffff, v6  }
0xac: {  	v3 =	vld.idx.msk [tilespmem:v3+s11+$0x0], $0xffff  }
0xad: {  	v8 =	vld.idx.msk [tilespmem:v8+s11+$0x0], $0xffff  }
0xae: {  	v7 =	vld.idx.msk [tilespmem:v7+s11+$0x0], $0xffff  }
0xaf: {  	v4 =	vld.idx.msk [tilespmem:v4+s11+$0x0], $0xffff  }
0xb0: {  	s19 =	sadd.s32 s16, s9;
	v11 =	vld.idx.msk [tilespmem:v5+s2+$0x0], $0xffff  }
0xb1: {  	v6 =	vor.u32 s19, v0  }
0xb2: {  	vm0 =	vgt.u32 v6, $0x2AA;
	v5 =	vmul.u32 $0xC, v6;
	v3 =	vmul.u32 $0x3, v3  }
0xb3: {  	vm1 =	vgt.u32 v6, $0x555;
	v9 =	vsel vm0, $0x1, v1;
	v8 =	vmul.u32 $0x3, v8  }
0xb4: {  	v14 =	vadd.s32 $0x6, v5;
	v3 =	vadd.s32 v2, v3;
	v2 =	vsel vm1, $0x2, v9  }
0xb5: {  	vm0 =	vgt.s32 v14, $0x1FFF;
	v9 =	vshll.u32 v2, $0xD;
	v19 =	vadd.s32 v13, v8  }
0xb6: {  	v7 =	vmul.u32 $0x3, v7;
	v10 =	vsel vm0, $0x1, v1;
	v8 =	vsub.s32 v5, v9  }
.Ltmp0:
0xb7: {  	vm0 =	vgt.s32 v14, $0x3FFF;
	v4 =	vmul.u32 $0x3, v4;
	v8 =	vshrl.u32 v8, $0x2;
	(pc) =	sbr.rel @p0 .LBB2_2-.Ltmp0, $4  }
0xb8: {  	v13 =	vshrl.u32 v5, $0x2;
	v16 =	vadd.s32 v12, v7;
	v9 =	vand.u32 $0x3FFFFFF8, v8  }
0xb9: {  	v13 =	vand.u32 $0x7, v13;
	v10 =	vsel vm0, $0x2, v10;
	v18 =	vadd.s32 v17, v4;
	v15 =	vld.idx.msk [tilespmem:v3+s2+$0x0], $0xffff  }
0xba: {  	v12 =	vadd.s32 $0x9, v5;
	v7 =	vadd.s32 $0x1800, v8;
	v3 =	vshll.u32 v10, $0xD;
	v17 =	vld.idx.msk [tilespmem:v19+s2+$0x0], $0xffff  }
0xbb: {  	vm0 =	vgt.s32 v12, $0x1FFF;
	v14 =	vsub.s32 v14, v3;
	v3 =	vadd.s32 $0x1000, v8  }
0xbc: {  	_ =	sdelay $0x3  }
0xbd: {  	v4 =	vld.idx.msk [tilespmem:v16+s2+$0x0], $0xffff  }
0xbe: {  	v15 =	vadd.f32 $0.0e+00, v15  }
0xbf: {  	v59 =	vld.idx.msk [tilespmem:v18+s2+$0x0], $0xffff  }
0xc0: {  	v15 =	vadd.f32 v17, v15;
	_ =	sdelay $0x1  }
0xc1: {  	v4 =	vadd.f32 v4, v15;
	_ =	sdelay $0x1  }
0xc2: {  	v60 =	vsel vm0, $0x1, v1;
	v7 =	vand.u32 $0x7FFFFFF8, v7;
	s17 =	sadd.s32 $0x400, s17;
	v4 =	vadd.f32 v59, v4  }
0xc3: {  	vm4 =	vgt.s32 v12, $0x3FFF;
	v9 =	vor.u32 v13, v9;
	v61 =	vor.u32 s17, v0  }
0xc4: {  	v62 =	vand.u32 $0x7, v8;
	v15 =	vsel vm4, $0x2, v60;
	v4 =	vmul.f32 $2.500000000e-01, v4  }
0xc5: {  	v14 =	vshrl.u32 v14, $0x2;
	v7 =	vor.u32 v62, v7;
	v63 =	vshll.u32 v15, $0xD  }
0xc6: {  	v19 =	vadd.s32 $0x1000, v14;
	v18 =	vsub.s32 v12, v63;
	v4 =	vsub.f32 v11, v4  }
0xc7: {  	v14 =	vand.u32 $0x7, v14;
	v12 =	vshrl.u32 v18, $0x2;
	v11 =	vand.u32 $0x7FFFFFF8, v19  }
0xc8: {  	v20 =	vadd.s32 $0x800, v12;
	v21 =	vor.u32 v14, v11;
	[tilespmem:v61+s12+$0x0] =	vst.idx.msk $0xffff, v4  }
0xc9: {  	v12 =	vand.u32 $0x7, v12;
	v22 =	vand.u32 $0x7FFFFFF8, v20;
	v9 =	vld.idx.msk [tilespmem:v9+s11+$0x0], $0xffff  }
0xca: {  	v11 =	vor.u32 v12, v22  }
0xcb: {  	v7 =	vld.idx.msk [tilespmem:v7+s11+$0x0], $0xffff;
	_ =	sdelay $0x1  }
0xcc: {  	v4 =	vld.idx.msk [tilespmem:v21+s11+$0x0], $0xffff  }
0xcd: {  	v9 =	vmul.u32 $0x3, v9  }
0xce: {  	v11 =	vld.idx.msk [tilespmem:v11+s11+$0x0], $0xffff  }
0xcf: {  	v7 =	vmul.u32 $0x3, v7;
	v9 =	vadd.s32 v2, v9;
	_ =	sdelay $0x1  }
0xd0: {  	v7 =	vadd.s32 v2, v7;
	v4 =	vmul.u32 $0x3, v4;
	_ =	sdelay $0x1  }
0xd1: {  	v23 =	vmul.u32 $0x3, v11;
	v4 =	vadd.s32 v10, v4  }
0xd2: {  	v9 =	vld.idx.msk [tilespmem:v9+s2+$0x0], $0xffff  }
0xd3: {  	v10 =	vadd.s32 v15, v23  }
0xd4: {  	v7 =	vld.idx.msk [tilespmem:v7+s2+$0x0], $0xffff  }
0xd5: {  	v24 =	vadd.s32 $0x800, v8;
	v25 =	vadd.s32 $0x4, v5;
	v26 =	vadd.s32 $0xA, v5  }
0xd6: {  	v27 =	vadd.s32 $0x7, v5;
	v6 =	vmul.u32 $0x3, v6;
	v38 =	vor.u32 s16, v0;
	v4 =	vld.idx.msk [tilespmem:v4+s2+$0x0], $0xffff  }
0xd7: {  	vm5 =	vgt.s32 v25, $0x1FFF;
	v8 =	vand.u32 $0x7FFFFFF8, v24;
	v9 =	vadd.f32 $0.0e+00, v9  }
0xd8: {  	vm6 =	vgt.s32 v27, $0x1FFF;
	vm1 =	vgt.s32 v26, $0x1FFF;
	v31 =	vshrl.u32 v25, $0x2;
	v10 =	vld.idx.msk [tilespmem:v10+s2+$0x0], $0xffff  }
0xd9: {  	vm7 =	vgt.s32 v25, $0x3FFF;
	vm8 =	vgt.s32 v26, $0x3FFF;
	v7 =	vadd.f32 v7, v9  }
0xda: {  	vm9 =	vgt.s32 v27, $0x3FFF;
	v28 =	vsel vm5, $0x1, v1;
	v30 =	vsel vm1, $0x1, v1  }
0xdb: {  	v8 =	vor.u32 v62, v8;
	v32 =	vsel vm8, $0x2, v30;
	v4 =	vadd.f32 v4, v7  }
0xdc: {  	v29 =	vsel vm6, $0x1, v1;
	v39 =	vshll.u32 v32, $0xD;
	v14 =	vsel vm7, $0x2, v28;
	v34 =	vld.idx.msk [tilespmem:v6+s2+$0x0], $0xffff  }
0xdd: {  	v33 =	vshll.u32 v14, $0xD;
	v15 =	vsel vm9, $0x2, v29;
	v4 =	vadd.f32 v10, v4  }
0xde: {  	v12 =	vsub.s32 v26, v39;
	v11 =	vsub.s32 v25, v33;
	v35 =	vshll.u32 v15, $0xD  }
0xdf: {  	v36 =	vshrl.u32 v11, $0x2;
	v37 =	vsub.s32 v27, v35;
	v4 =	vmul.f32 $2.500000000e-01, v4  }
0xe0: {  	v40 =	vshrl.u32 v37, $0x2;
	v9 =	vand.u32 $0x7, v31;
	v10 =	vand.u32 $0x3FFFFFF8, v36  }
0xe1: {  	v11 =	vadd.s32 $0x1800, v40;
	v9 =	vor.u32 v9, v10;
	v4 =	vsub.f32 v34, v4  }
0xe2: {  	v12 =	vshrl.u32 v12, $0x2;
	v11 =	vand.u32 $0x7FFFFFF8, v11;
	v10 =	vand.u32 $0x7, v40  }
0xe3: {  	v41 =	vadd.s32 $0x1000, v12;
	v10 =	vor.u32 v10, v11;
	[tilespmem:v38+s12+$0x0] =	vst.idx.msk $0xffff, v4  }
0xe4: {  	v43 =	vand.u32 $0x7, v12;
	v42 =	vand.u32 $0x7FFFFFF8, v41;
	v8 =	vld.idx.msk [tilespmem:v8+s11+$0x0], $0xffff  }
0xe5: {  	v4 =	vor.u32 v43, v42  }
0xe6: {  	v9 =	vld.idx.msk [tilespmem:v9+s11+$0x0], $0xffff;
	_ =	sdelay $0x1  }
0xe7: {  	v10 =	vld.idx.msk [tilespmem:v10+s11+$0x0], $0xffff  }
0xe8: {  	v8 =	vmul.u32 $0x3, v8  }
0xe9: {  	v4 =	vld.idx.msk [tilespmem:v4+s11+$0x0], $0xffff  }
0xea: {  	v9 =	vmul.u32 $0x3, v9;
	v8 =	vadd.s32 v2, v8;
	_ =	sdelay $0x1  }
0xeb: {  	v10 =	vmul.u32 $0x3, v10;
	v9 =	vadd.s32 v14, v9;
	_ =	sdelay $0x1  }
0xec: {  	v10 =	vadd.s32 v15, v10;
	v4 =	vmul.u32 $0x3, v4  }
0xed: {  	v8 =	vld.idx.msk [tilespmem:v8+s2+$0x0], $0xffff  }
0xee: {  	v4 =	vadd.s32 v32, v4  }
0xef: {  	v9 =	vld.idx.msk [tilespmem:v9+s2+$0x0], $0xffff  }
0xf0: {  	v44 =	vadd.s32 $0x5, v5;
	v45 =	vadd.s32 $0xB, v5  }
0xf1: {  	v46 =	vadd.s32 $0x8, v5;
	v3 =	vand.u32 $0x7FFFFFF8, v3;
	vm10 =	vgt.s32 v44, $0x1FFF;
	v10 =	vld.idx.msk [tilespmem:v10+s2+$0x0], $0xffff  }
0xf2: {  	vm11 =	vgt.s32 v46, $0x1FFF;
	v48 =	vadd.s32 $0x1, v6;
	v8 =	vadd.f32 $0.0e+00, v8  }
0xf3: {  	vm12 =	vgt.s32 v45, $0x1FFF;
	vm13 =	vgt.s32 v44, $0x3FFF;
	vm14 =	vgt.s32 v46, $0x3FFF;
	v4 =	vld.idx.msk [tilespmem:v4+s2+$0x0], $0xffff  }
0xf4: {  	v54 =	vshrl.u32 v46, $0x2;
	v3 =	vor.u32 v62, v3;
	v8 =	vadd.f32 v9, v8  }
0xf5: {  	vm15 =	vgt.s32 v45, $0x3FFF;
	v47 =	vsel vm10, $0x1, v1;
	v49 =	vsel vm11, $0x1, v1  }
0xf6: {  	s30 =	sadd.s32 $0x200, s16;
	v52 =	vsel vm14, $0x2, v49;
	v12 =	vsel vm13, $0x2, v47;
	v8 =	vadd.f32 v10, v8  }
0xf7: {  	v56 =	vor.u32 s30, v0;
	v53 =	vshll.u32 v52, $0xD;
	v51 =	vshll.u32 v12, $0xD;
	v13 =	vld.idx.msk [tilespmem:v48+s2+$0x0], $0xffff  }
0xf8: {  	v5 =	vsub.s32 v46, v53;
	v7 =	vsub.s32 v44, v51;
	v4 =	vadd.f32 v4, v8  }
0xf9: {  	v50 =	vsel vm12, $0x1, v1;
	v5 =	vshrl.u32 v5, $0x2;
	v7 =	vshrl.u32 v7, $0x2  }
0xfa: {  	v55 =	vadd.s32 $0x800, v7;
	v15 =	vsel vm15, $0x2, v50;
	v4 =	vmul.f32 $2.500000000e-01, v4  }
0xfb: {  	v7 =	vand.u32 $0x7, v7;
	v57 =	vand.u32 $0x7FFFFFF8, v55;
	v58 =	vshll.u32 v15, $0xD  }
0xfc: {  	v7 =	vor.u32 v7, v57;
	v10 =	vsub.s32 v45, v58;
	v4 =	vsub.f32 v13, v4  }
0xfd: {  	v5 =	vand.u32 $0x3FFFFFF8, v5;
	v59 =	vand.u32 $0x7, v54;
	v10 =	vshrl.u32 v10, $0x2  }
0xfe: {  	v5 =	vor.u32 v59, v5;
	v60 =	vadd.s32 $0x1800, v10;
	[tilespmem:v56+s12+$0x0] =	vst.idx.msk $0xffff, v4  }
0xff: {  	v62 =	vand.u32 $0x7, v10;
	v61 =	vand.u32 $0x7FFFFFF8, v60;
	v3 =	vld.idx.msk [tilespmem:v3+s11+$0x0], $0xffff  }
0x100: {  	v4 =	vor.u32 v62, v61  }
0x101: {  	v7 =	vld.idx.msk [tilespmem:v7+s11+$0x0], $0xffff;
	_ =	sdelay $0x1  }
0x102: {  	v5 =	vld.idx.msk [tilespmem:v5+s11+$0x0], $0xffff  }
0x103: {  	v3 =	vmul.u32 $0x3, v3  }
0x104: {  	v4 =	vld.idx.msk [tilespmem:v4+s11+$0x0], $0xffff  }
0x105: {  	v7 =	vmul.u32 $0x3, v7;
	v2 =	vadd.s32 v2, v3;
	_ =	sdelay $0x1  }
0x106: {  	v5 =	vmul.u32 $0x3, v5;
	v3 =	vadd.s32 v12, v7;
	_ =	sdelay $0x1  }
0x107: {  	v5 =	vadd.s32 v52, v5;
	v4 =	vmul.u32 $0x3, v4  }
0x108: {  	v2 =	vld.idx.msk [tilespmem:v2+s2+$0x0], $0xffff  }
0x109: {  	v4 =	vadd.s32 v15, v4  }
0x10a: {  	v3 =	vld.idx.msk [tilespmem:v3+s2+$0x0], $0xffff;
	_ =	sdelay $0x1  }
0x10b: {  	v5 =	vld.idx.msk [tilespmem:v5+s2+$0x0], $0xffff  }
0x10c: {  	v6 =	vadd.s32 $0x2, v6;
	v2 =	vadd.f32 $0.0e+00, v2  }
0x10d: {  	v4 =	vld.idx.msk [tilespmem:v4+s2+$0x0], $0xffff  }
0x10e: {  	v2 =	vadd.f32 v3, v2;
	_ =	sdelay $0x1  }
0x10f: {  	v2 =	vadd.f32 v5, v2  }
0x110: {  	v3 =	vld.idx.msk [tilespmem:v6+s2+$0x0], $0xffff  }
0x111: {  	s31 =	sadd.s32 $0x400, s16;
	v2 =	vadd.f32 v4, v2  }
0x112: {  	v63 =	vor.u32 s31, v0  }
0x113: {  	v2 =	vmul.f32 $2.500000000e-01, v2;
	_ =	sdelay $0x1  }
0x114: {  	v2 =	vsub.f32 v3, v2;
	_ =	sdelay $0x1  }
0x115: {  	[tilespmem:v63+s12+$0x0] =	vst.idx.msk $0xffff, v2  }
0x116: {  	[hbm4b:s5+s2] =	stream.linear.scatter [tilespmem:s12], [sflag:$0x1], $0x200, $0x38;
	[tilespmem:$0x3E00] =	vst v63  }
0x117: {  	_ =	swait.ge [sflag:s10], $0x200  }
0x118: {  	[sflag:s10] =	ssyncset.done $0x0  }
0x119: {  	[sflag:s10] =	ssyncadd.s32 $0xFFFFFE00  }
0x11a: {  	[hbm4b:s6+s2] =	stream.linear.scatter [tilespmem:s13], [sflag:$0x1], $0x200, $0x38;
	[tilespmem:$0x3E00] =	vst v63  }
0x11b: {  	s15 =	sadd.s32 $0x1, s15;
	_ =	swait.ge [sflag:s10], $0x200  }
0x11c: {  	p0 =	sne.s32 s15, s8;
	[sflag:s10] =	ssyncset.done $0x0  }
.Ltmp1:
0x11d: {  	[sflag:s10] =	ssyncadd.s32 $0xFFFFFE00;
	(pc) =	sbr.rel @p0 .LBB2_1-.Ltmp1, $4  }
0x11e: {  	[hbm4b:s7+s2] =	stream.linear.scatter [tilespmem:s14], [sflag:$0x1], $0x200, $0x38;
	[tilespmem:$0x3E00] =	vst v63  }
0x11f: {  	_ =	swait.ge [sflag:s10], $0x200  }
0x120: {  	[sflag:s10] =	ssyncset.done $0x0  }
0x121: {  	[sflag:s10] =	ssyncadd.s32 $0xFFFFFE00  }
0x122: {  	_ =	sfence.sel $0x180000  }
0x123: {  	[bflag:$0x0] =	sbarrier.arrive $0xFFFF  }
0x124: {  	p0 =	sne.s32 s1, $0x0;
	_ =	strace $0x90000047  }
0x125: {  	s0 =	sadd.s32 @!p0 $0x100000, s0;
	[bflag:$0x2] =	sbarrier.arrive $0xFFFF  }
0x126: {  	[sflag:s0] =	ssyncadd.tile.s32 @!p0 $0x1;
	_ =	shalt  }
.Lfunc_end2:
_tile_overlayer_lowered:
.L_overlay_start_2:
0x127: {  	(tag) =	ssettag $0x2  }
0x128: {  	s0 =	rddreg [dreg:$0x0];
	s2 =	stileid.u32  }
0x129: {  	s1 =	rddreg [dreg:$0x1];
	p0 =	sne.s32 s2, $0x0  }
0x12a: {  	s3 =	rddreg [dreg:$0x2];
	[bflag:$0x3] =	sbarrier.arrive $0xFFFF;
	s2 =	simm.s32 @!p0 $0x1C01  }
0x12b: {  	[timem:s3], [sflag:s2] =	dma.local @!p0 [hbm:s0], s1  }
0x12c: {  	s0 =	simm.s32 @!p0 $0x1  }
0x12d: {  	_ =	swait.ge @!p0 [sflag:s0], s1  }
0x12e: {  	s1 =	ssub.s32 @!p0 $0x0, s1;
	[sflag:s0] =	ssyncset.done @!p0 $0x0  }
0x12f: {  	[sflag:s0] =	ssyncadd.s32 @!p0 s1  }
0x130: {  	[bflag:$0x3] =	sbarrier.arrive $0xFFFF  }
0x131: {  	_ =	shalt  }

</sc_bundles>
